<compile_context>
chip_gen: v7x
topology: tpu7x:2x2x1
jax: 0.10.2.dev20260603
libtpu: 0.0.44.dev20260713+nightly
codegen_flags: <defaults>
</compile_context>

<pallas_src>
import functools

import jax
import jax.numpy as jnp
from jax import lax
from jax.experimental import pallas as pl
from jax.experimental.pallas import tpu as pltpu
from jax.experimental.pallas import tpu_sc as plsc

B = 16384
IN_DIM = 768
OUT_DIM = 256
K = 1024
BETA = 0.25
EPS = 1e-5

TILE = 1024
GRID = B // TILE


def _argmin_dist(r, cb):
    rn = jnp.sum(r ** 2, axis=1, keepdims=True)
    dot = lax.dot_general(r, cb, (((1,), (1,)), ((), ())))
    cbn = jnp.sum(cb ** 2, axis=1)[None, :]
    d = rn - 2.0 * dot + cbn
    return jnp.argmin(d, axis=1).astype(jnp.int32)


def _enc_body(x_ref, g_ref, be_ref, W1_ref, b1_ref, W2_ref, b2_ref, cb_ref,
              enc_ref, idx_ref):
    x = x_ref[...]
    mu = jnp.mean(x, axis=-1, keepdims=True)
    var = jnp.mean((x - mu) ** 2, axis=-1, keepdims=True)
    xn = (x - mu) / jnp.sqrt(var + EPS) * g_ref[...] + be_ref[...]
    h = jnp.maximum(jnp.dot(xn, W1_ref[...]) + b1_ref[...], 0.0)
    enc = jnp.dot(h, W2_ref[...]) + b2_ref[...]
    enc_ref[...] = enc
    idx_ref[...] = _argmin_dist(enc, cb_ref[...])[:, None]


def _level_body(rprev_ref, q_ref, cb_ref, rout_ref, idx_ref, csum_ref):
    i = pl.program_id(0)
    r = rprev_ref[...] - q_ref[...]
    rout_ref[...] = r
    idx_ref[...] = _argmin_dist(r, cb_ref[...])[:, None]
    s = jnp.sum(r * r).reshape(1, 1)

    @pl.when(i == 0)
    def _():
        csum_ref[...] = s

    @pl.when(i > 0)
    def _():
        csum_ref[...] = csum_ref[...] + s


def _final_body(r2_ref, q2_ref, enc_ref, x_ref, Wd1_ref, bd1_ref, Wd2_ref,
                bd2_ref, c0_ref, c1_ref, rec_ref, loss_ref, accr, accc):
    i = pl.program_id(0)
    r3 = r2_ref[...] - q2_ref[...]
    fq = enc_ref[...] - r3
    dh = jnp.maximum(jnp.dot(fq, Wd1_ref[...]) + bd1_ref[...], 0.0)
    rec = jnp.dot(dh, Wd2_ref[...]) + bd2_ref[...]
    rec_ref[...] = rec
    diff = rec - x_ref[...]
    rs = jnp.sum(diff * diff).reshape(1, 1)
    cs = jnp.sum(r3 * r3).reshape(1, 1)

    @pl.when(i == 0)
    def _():
        accr[...] = rs
        accc[...] = cs

    @pl.when(i > 0)
    def _():
        accr[...] = accr[...] + rs
        accc[...] = accc[...] + cs

    @pl.when(i == GRID - 1)
    def _():
        rl = accr[...] / jnp.float32(B * IN_DIM)
        cl0 = c0_ref[...] / jnp.float32(B * OUT_DIM)
        cl1 = c1_ref[...] / jnp.float32(B * OUT_DIM)
        cl2 = accc[...] / jnp.float32(B * OUT_DIM)
        loss_ref[...] = rl + BETA * (cl0 + cl1 + cl2)


def _row_spec(w):
    return pl.BlockSpec((TILE, w), lambda i: (i, 0))


def _const_spec(h, w):
    return pl.BlockSpec((h, w), lambda i: (0, 0))


_NC = 2
_NS = 16
_NW = _NC * _NS
_ROWS_PER_W = B // _NW
_CHUNK = 256
_NCHUNK = _ROWS_PER_W // _CHUNK


def _sc_gather(table, idx):
    mesh = plsc.VectorSubcoreMesh(core_axis_name="c", subcore_axis_name="s")

    @functools.partial(
        pl.kernel,
        mesh=mesh,
        out_type=jax.ShapeDtypeStruct((B, OUT_DIM), jnp.float32),
        scratch_types=[
            pltpu.VMEM((_CHUNK,), jnp.int32),
            pltpu.VMEM((_CHUNK, OUT_DIM), jnp.float32),
            pltpu.SemaphoreType.DMA,
        ],
    )
    def gk(table_hbm, idx_hbm, out_hbm, idx_v, rows_v, sem):
        wid = lax.axis_index("s") * _NC + lax.axis_index("c")
        for j in range(_NCHUNK):
            base = wid * _ROWS_PER_W + j * _CHUNK
            pltpu.sync_copy(idx_hbm.at[pl.ds(base, _CHUNK)], idx_v)
            pltpu.async_copy(table_hbm.at[idx_v], rows_v, sem).wait()
            pltpu.sync_copy(rows_v, out_hbm.at[pl.ds(base, _CHUNK)])

    return gk(table, idx)


def kernel(x, ln_g, ln_b, W1, b1, W2, b2, Wd1, bd1, Wd2, bd2, codebooks):
    g2 = ln_g[None, :]
    be2 = ln_b[None, :]
    b12 = b1[None, :]
    b22 = b2[None, :]
    bd12 = bd1[None, :]
    bd22 = bd2[None, :]
    cb0, cb1, cb2 = codebooks[0], codebooks[1], codebooks[2]

    enc, idx0 = pl.pallas_call(
        _enc_body,
        grid=(GRID,),
        in_specs=[
            _row_spec(IN_DIM),
            _const_spec(1, IN_DIM),
            _const_spec(1, IN_DIM),
            _const_spec(IN_DIM, OUT_DIM),
            _const_spec(1, OUT_DIM),
            _const_spec(OUT_DIM, OUT_DIM),
            _const_spec(1, OUT_DIM),
            _const_spec(K, OUT_DIM),
        ],
        out_specs=[_row_spec(OUT_DIM), _row_spec(1)],
        out_shape=[
            jax.ShapeDtypeStruct((B, OUT_DIM), jnp.float32),
            jax.ShapeDtypeStruct((B, 1), jnp.int32),
        ],
    )(x, g2, be2, W1, b12, W2, b22, cb0)

    q0 = _sc_gather(cb0, jnp.reshape(idx0, (B,)))

    level = pl.pallas_call(
        _level_body,
        grid=(GRID,),
        in_specs=[_row_spec(OUT_DIM), _row_spec(OUT_DIM), _const_spec(K, OUT_DIM)],
        out_specs=[_row_spec(OUT_DIM), _row_spec(1), _const_spec(1, 1)],
        out_shape=[
            jax.ShapeDtypeStruct((B, OUT_DIM), jnp.float32),
            jax.ShapeDtypeStruct((B, 1), jnp.int32),
            jax.ShapeDtypeStruct((1, 1), jnp.float32),
        ],
    )

    r1, idx1, c0 = level(enc, q0, cb1)
    q1 = _sc_gather(cb1, jnp.reshape(idx1, (B,)))

    r2, idx2, c1 = level(r1, q1, cb2)
    q2 = _sc_gather(cb2, jnp.reshape(idx2, (B,)))

    rec, loss = pl.pallas_call(
        _final_body,
        grid=(GRID,),
        in_specs=[
            _row_spec(OUT_DIM),
            _row_spec(OUT_DIM),
            _row_spec(OUT_DIM),
            _row_spec(IN_DIM),
            _const_spec(OUT_DIM, IN_DIM),
            _const_spec(1, IN_DIM),
            _const_spec(IN_DIM, IN_DIM),
            _const_spec(1, IN_DIM),
            _const_spec(1, 1),
            _const_spec(1, 1),
        ],
        out_specs=[_row_spec(IN_DIM), _const_spec(1, 1)],
        out_shape=[
            jax.ShapeDtypeStruct((B, IN_DIM), jnp.float32),
            jax.ShapeDtypeStruct((1, 1), jnp.float32),
        ],
        scratch_shapes=[
            pltpu.VMEM((1, 1), jnp.float32),
            pltpu.VMEM((1, 1), jnp.float32),
        ],
    )(r2, q2, enc, x, Wd1, bd12, Wd2, bd22, c0, c1)

    indices_out = jnp.concatenate([idx0, idx1, idx2], axis=1)
    return (loss[0, 0], rec, indices_out)

# --- scband reference (transcript-rebuilt; emitter-appended) ---
"""Pipeline reference for scband-rqvae-90683939488005 (READ-ONLY COPY).

The authoritative reference and input builder live on the scoring server;
editing this copy changes nothing except your own understanding.
"""

import jax, jax.numpy as jnp
import numpy as np

B = 16384
IN_DIM = 768
OUT_DIM = 256
EMB_DIM = 256
K = 1024
L = 3
BETA = 0.25
EPS = 1e-5


def setup_inputs(seed: int = 0) -> dict:
    key = jax.random.key(seed)
    ks = jax.random.split(key, 12)
    x = jax.random.normal(ks[0], (B, IN_DIM), dtype=jnp.float32)
    ln_g = jnp.ones((IN_DIM,), dtype=jnp.float32)
    ln_b = jnp.zeros((IN_DIM,), dtype=jnp.float32)
    W1 = jax.random.normal(ks[1], (IN_DIM, OUT_DIM), dtype=jnp.float32) * 0.02
    b1 = jnp.zeros((OUT_DIM,), dtype=jnp.float32)
    W2 = jax.random.normal(ks[2], (OUT_DIM, OUT_DIM), dtype=jnp.float32) * 0.02
    b2 = jnp.zeros((OUT_DIM,), dtype=jnp.float32)
    Wd1 = jax.random.normal(ks[3], (OUT_DIM, IN_DIM), dtype=jnp.float32) * 0.02
    bd1 = jnp.zeros((IN_DIM,), dtype=jnp.float32)
    Wd2 = jax.random.normal(ks[4], (IN_DIM, IN_DIM), dtype=jnp.float32) * 0.02
    bd2 = jnp.zeros((IN_DIM,), dtype=jnp.float32)
    codebooks = jax.random.normal(ks[5], (L, K, EMB_DIM), dtype=jnp.float32) * 0.02
    return {"x": x, "ln_g": ln_g, "ln_b": ln_b, "W1": W1, "b1": b1,
            "W2": W2, "b2": b2, "Wd1": Wd1, "bd1": bd1, "Wd2": Wd2,
            "bd2": bd2, "codebooks": codebooks}


def _layernorm(x, g, b):
    mu = jnp.mean(x, axis=-1, keepdims=True)
    var = jnp.mean((x - mu) ** 2, axis=-1, keepdims=True)
    return (x - mu) / jnp.sqrt(var + EPS) * g + b


def reference(x, ln_g, ln_b, W1, b1, W2, b2, Wd1, bd1, Wd2, bd2, codebooks):
    # encoder: LayerNorm -> Linear -> ReLU -> Linear
    h = _layernorm(x, ln_g, ln_b)
    h = jax.nn.relu(h @ W1 + b1)
    encoded = h @ W2 + b2

    # quantize_and_get_loss
    residual = encoded
    quantized_vectors = []
    indices_list = []
    total_commitment_loss = 0.0
    for i in range(L):
        cb = codebooks[i]
        distances = (jnp.sum(residual ** 2, axis=1, keepdims=True)
                     - 2.0 * (residual @ cb.T)
                     + jnp.sum(cb ** 2, axis=1)[None, :])
        indices = jnp.argmin(distances, axis=1)
        indices_list.append(indices)
        quantized = jnp.take(cb, indices, axis=0)
        quantized_vectors.append(quantized)
        commitment_loss = jnp.mean((jax.lax.stop_gradient(residual) - quantized) ** 2)
        total_commitment_loss = total_commitment_loss + commitment_loss
        quantized_for_grad = residual + jax.lax.stop_gradient(quantized - residual)
        residual = residual - quantized_for_grad

    final_quantized = jnp.sum(jnp.stack(quantized_vectors, axis=0), axis=0)
    indices_out = jnp.stack(indices_list, axis=1)

    # decoder: Linear -> ReLU -> Linear
    d = jax.nn.relu(final_quantized @ Wd1 + bd1)
    reconstructed = d @ Wd2 + bd2

    reconstruction_loss = jnp.mean((reconstructed - x) ** 2)
    loss = reconstruction_loss + BETA * total_commitment_loss
    return (loss, reconstructed, indices_out)

if __name__ == "__main__":
    import jax
    _d = setup_inputs()
    print(jax.jit(kernel)(*tuple(_d.values())))

</pallas_src>

<mosaic_0001>
#map = affine_map<(d0, d1) -> (0, 0)>
#map1 = affine_map<(d0, d1) -> (0)>
module attributes {stable_mosaic.version = 14 : i64} {
  func.func @gk(%arg0: i32, %arg1: i32, %arg2: memref<1024x256xf32, #tpu.memory_space<hbm>>, %arg3: memref<16384xi32, #tpu.memory_space<hbm>>, %arg4: memref<16384x256xf32, #tpu.memory_space<hbm>>, %arg5: memref<256xi32, #tpu.memory_space<vmem>>, %arg6: memref<256x256xf32, #tpu.memory_space<vmem>>, %arg7: memref<!tpu.dma_semaphore, #tpu.memory_space<semaphore_mem>>) attributes {dimension_semantics = [#tpu.dimension_semantics<core_parallel>, #tpu.dimension_semantics<subcore_parallel>], iteration_bounds = array<i64: 2, 16>, scalar_prefetch = 0 : i64, scratch_operands = 3 : i64, tpu.core_type = #tpu.core_type<sc_vector_subcore>, window_params = [{transform_indices = #map}, {transform_indices = #map1}, {transform_indices = #map}]} {
    %mul3A = arith.constant 2 : i32
    %mul3A_0 = arith.muli %arg1, %mul3A : i32
    %add3A = arith.addi %mul3A_0, %arg0 : i32
    %mul3A_1 = arith.constant 512 : i32
    %mul3A_2 = arith.muli %add3A, %mul3A_1 : i32
    %add3A_3 = arith.constant 0 : i32
    %add3A_4 = arith.addi %mul3A_2, %add3A_3 : i32
    "tpu.region"() ({
      %run_scoped3A = tpu.sem_alloc : memref<!tpu.dma_semaphore, #tpu.memory_space<semaphore_mem>>
      %dma_start3A_19 = tpu.memref_slice %arg3[%add3A_4] : memref<16384xi32, #tpu.memory_space<hbm>> -> memref<256xi32, #tpu.memory_space<hbm>>
      %dma_start3A_20 = tpu.memref_slice %arg3[%add3A_4] : memref<16384xi32, #tpu.memory_space<hbm>> -> memref<256xi32, #tpu.memory_space<hbm>>
      tpu.enqueue_dma source(%dma_start3A_20 : memref<256xi32, #tpu.memory_space<hbm>>) target(%arg5 : memref<256xi32, #tpu.memory_space<vmem>>) target_semaphore(%run_scoped3A : memref<!tpu.dma_semaphore, #tpu.memory_space<semaphore_mem>>)
      %dma_wait3A_21 = tpu.memref_slice %arg3[%add3A_4] : memref<16384xi32, #tpu.memory_space<hbm>> -> memref<256xi32, #tpu.memory_space<hbm>>
      %dma_wait3A_22 = tpu.memref_slice %arg3[%add3A_4] : memref<16384xi32, #tpu.memory_space<hbm>> -> memref<256xi32, #tpu.memory_space<hbm>>
      tpu.wait_dma2 semaphore(%run_scoped3A : memref<!tpu.dma_semaphore, #tpu.memory_space<semaphore_mem>>) src(%dma_wait3A_22 : memref<256xi32, #tpu.memory_space<hbm>>) dst(%arg5 : memref<256xi32, #tpu.memory_space<vmem>>)
      tpu.yield
    }) : () -> ()
    %dma_start3A = arith.constant 0 : i32
    %dma_start3A_5 = arith.constant 0 : i32
    %dma_start3A_6 = tpu.memref_slice %arg2[%dma_start3A, %dma_start3A_5] : memref<1024x256xf32, #tpu.memory_space<hbm>> -> memref<1024x256xf32, #tpu.memory_space<hbm>>
    tpu.enqueue_indirect_dma source(%dma_start3A_6 : memref<1024x256xf32, #tpu.memory_space<hbm>>) target(%arg6 : memref<256x256xf32, #tpu.memory_space<vmem>>) offsets(%arg5 : memref<256xi32, #tpu.memory_space<vmem>>) semaphore(%arg7 : memref<!tpu.dma_semaphore, #tpu.memory_space<semaphore_mem>>)
    %dma_wait3A = arith.constant 0 : i32
    %dma_wait3A_7 = arith.constant 0 : i32
    %dma_wait3A_8 = tpu.memref_slice %arg2[%dma_wait3A, %dma_wait3A_7] : memref<1024x256xf32, #tpu.memory_space<hbm>> -> memref<1024x256xf32, #tpu.memory_space<hbm>>
    tpu.wait_indirect_dma semaphore(%arg7 : memref<!tpu.dma_semaphore, #tpu.memory_space<semaphore_mem>>) src(%dma_wait3A_8 : memref<1024x256xf32, #tpu.memory_space<hbm>>) dst(%arg6 : memref<256x256xf32, #tpu.memory_space<vmem>>)
    "tpu.region"() ({
      %run_scoped3A = tpu.sem_alloc : memref<!tpu.dma_semaphore, #tpu.memory_space<semaphore_mem>>
      %dma_start3A_19 = arith.constant 0 : i32
      %dma_start3A_20 = tpu.memref_slice %arg4[%add3A_4, %dma_start3A_19] : memref<16384x256xf32, #tpu.memory_space<hbm>> -> memref<256x256xf32, #tpu.memory_space<hbm>>
      %dma_start3A_21 = arith.constant 0 : i32
      %dma_start3A_22 = tpu.memref_slice %arg4[%add3A_4, %dma_start3A_21] : memref<16384x256xf32, #tpu.memory_space<hbm>> -> memref<256x256xf32, #tpu.memory_space<hbm>>
      tpu.enqueue_dma source(%arg6 : memref<256x256xf32, #tpu.memory_space<vmem>>) target(%dma_start3A_22 : memref<256x256xf32, #tpu.memory_space<hbm>>) target_semaphore(%run_scoped3A : memref<!tpu.dma_semaphore, #tpu.memory_space<semaphore_mem>>)
      %dma_wait3A_23 = arith.constant 0 : i32
      %dma_wait3A_24 = tpu.memref_slice %arg4[%add3A_4, %dma_wait3A_23] : memref<16384x256xf32, #tpu.memory_space<hbm>> -> memref<256x256xf32, #tpu.memory_space<hbm>>
      %dma_wait3A_25 = arith.constant 0 : i32
      %dma_wait3A_26 = tpu.memref_slice %arg4[%add3A_4, %dma_wait3A_25] : memref<16384x256xf32, #tpu.memory_space<hbm>> -> memref<256x256xf32, #tpu.memory_space<hbm>>
      tpu.wait_dma2 semaphore(%run_scoped3A : memref<!tpu.dma_semaphore, #tpu.memory_space<semaphore_mem>>) src(%arg6 : memref<256x256xf32, #tpu.memory_space<vmem>>) dst(%dma_wait3A_26 : memref<256x256xf32, #tpu.memory_space<hbm>>)
      tpu.yield
    }) : () -> ()
    %mul3A_9 = arith.constant 512 : i32
    %mul3A_10 = arith.muli %add3A, %mul3A_9 : i32
    %add3A_11 = arith.constant 256 : i32
    %add3A_12 = arith.addi %mul3A_10, %add3A_11 : i32
    "tpu.region"() ({
      %run_scoped3A = tpu.sem_alloc : memref<!tpu.dma_semaphore, #tpu.memory_space<semaphore_mem>>
      %dma_start3A_19 = tpu.memref_slice %arg3[%add3A_12] : memref<16384xi32, #tpu.memory_space<hbm>> -> memref<256xi32, #tpu.memory_space<hbm>>
      %dma_start3A_20 = tpu.memref_slice %arg3[%add3A_12] : memref<16384xi32, #tpu.memory_space<hbm>> -> memref<256xi32, #tpu.memory_space<hbm>>
      tpu.enqueue_dma source(%dma_start3A_20 : memref<256xi32, #tpu.memory_space<hbm>>) target(%arg5 : memref<256xi32, #tpu.memory_space<vmem>>) target_semaphore(%run_scoped3A : memref<!tpu.dma_semaphore, #tpu.memory_space<semaphore_mem>>)
      %dma_wait3A_21 = tpu.memref_slice %arg3[%add3A_12] : memref<16384xi32, #tpu.memory_space<hbm>> -> memref<256xi32, #tpu.memory_space<hbm>>
      %dma_wait3A_22 = tpu.memref_slice %arg3[%add3A_12] : memref<16384xi32, #tpu.memory_space<hbm>> -> memref<256xi32, #tpu.memory_space<hbm>>
      tpu.wait_dma2 semaphore(%run_scoped3A : memref<!tpu.dma_semaphore, #tpu.memory_space<semaphore_mem>>) src(%dma_wait3A_22 : memref<256xi32, #tpu.memory_space<hbm>>) dst(%arg5 : memref<256xi32, #tpu.memory_space<vmem>>)
      tpu.yield
    }) : () -> ()
    %dma_start3A_13 = arith.constant 0 : i32
    %dma_start3A_14 = arith.constant 0 : i32
    %dma_start3A_15 = tpu.memref_slice %arg2[%dma_start3A_13, %dma_start3A_14] : memref<1024x256xf32, #tpu.memory_space<hbm>> -> memref<1024x256xf32, #tpu.memory_space<hbm>>
    tpu.enqueue_indirect_dma source(%dma_start3A_15 : memref<1024x256xf32, #tpu.memory_space<hbm>>) target(%arg6 : memref<256x256xf32, #tpu.memory_space<vmem>>) offsets(%arg5 : memref<256xi32, #tpu.memory_space<vmem>>) semaphore(%arg7 : memref<!tpu.dma_semaphore, #tpu.memory_space<semaphore_mem>>)
    %dma_wait3A_16 = arith.constant 0 : i32
    %dma_wait3A_17 = arith.constant 0 : i32
    %dma_wait3A_18 = tpu.memref_slice %arg2[%dma_wait3A_16, %dma_wait3A_17] : memref<1024x256xf32, #tpu.memory_space<hbm>> -> memref<1024x256xf32, #tpu.memory_space<hbm>>
    tpu.wait_indirect_dma semaphore(%arg7 : memref<!tpu.dma_semaphore, #tpu.memory_space<semaphore_mem>>) src(%dma_wait3A_18 : memref<1024x256xf32, #tpu.memory_space<hbm>>) dst(%arg6 : memref<256x256xf32, #tpu.memory_space<vmem>>)
    "tpu.region"() ({
      %run_scoped3A = tpu.sem_alloc : memref<!tpu.dma_semaphore, #tpu.memory_space<semaphore_mem>>
      %dma_start3A_19 = arith.constant 0 : i32
      %dma_start3A_20 = tpu.memref_slice %arg4[%add3A_12, %dma_start3A_19] : memref<16384x256xf32, #tpu.memory_space<hbm>> -> memref<256x256xf32, #tpu.memory_space<hbm>>
      %dma_start3A_21 = arith.constant 0 : i32
      %dma_start3A_22 = tpu.memref_slice %arg4[%add3A_12, %dma_start3A_21] : memref<16384x256xf32, #tpu.memory_space<hbm>> -> memref<256x256xf32, #tpu.memory_space<hbm>>
      tpu.enqueue_dma source(%arg6 : memref<256x256xf32, #tpu.memory_space<vmem>>) target(%dma_start3A_22 : memref<256x256xf32, #tpu.memory_space<hbm>>) target_semaphore(%run_scoped3A : memref<!tpu.dma_semaphore, #tpu.memory_space<semaphore_mem>>)
      %dma_wait3A_23 = arith.constant 0 : i32
      %dma_wait3A_24 = tpu.memref_slice %arg4[%add3A_12, %dma_wait3A_23] : memref<16384x256xf32, #tpu.memory_space<hbm>> -> memref<256x256xf32, #tpu.memory_space<hbm>>
      %dma_wait3A_25 = arith.constant 0 : i32
      %dma_wait3A_26 = tpu.memref_slice %arg4[%add3A_12, %dma_wait3A_25] : memref<16384x256xf32, #tpu.memory_space<hbm>> -> memref<256x256xf32, #tpu.memory_space<hbm>>
      tpu.wait_dma2 semaphore(%run_scoped3A : memref<!tpu.dma_semaphore, #tpu.memory_space<semaphore_mem>>) src(%arg6 : memref<256x256xf32, #tpu.memory_space<vmem>>) dst(%dma_wait3A_26 : memref<256x256xf32, #tpu.memory_space<hbm>>)
      tpu.yield
    }) : () -> ()
    return
  }
}

#map = affine_map<(d0, d1) -> (0, 0)>
#map1 = affine_map<(d0, d1) -> (0)>
module attributes {stable_mosaic.version = 14 : i64} {
  func.func @gk(%arg0: i32, %arg1: i32, %arg2: memref<1024x256xf32, #tpu.memory_space<hbm>>, %arg3: memref<16384xi32, #tpu.memory_space<hbm>>, %arg4: memref<16384x256xf32, #tpu.memory_space<hbm>>, %arg5: memref<256xi32, #tpu.memory_space<vmem>>, %arg6: memref<256x256xf32, #tpu.memory_space<vmem>>, %arg7: memref<!tpu.dma_semaphore, #tpu.memory_space<semaphore_mem>>) attributes {dimension_semantics = [#tpu.dimension_semantics<core_parallel>, #tpu.dimension_semantics<subcore_parallel>], iteration_bounds = array<i64: 2, 16>, scalar_prefetch = 0 : i64, scratch_operands = 3 : i64, tpu.core_type = #tpu.core_type<sc_vector_subcore>, window_params = [{transform_indices = #map}, {transform_indices = #map1}, {transform_indices = #map}]} {
    %mul3A = arith.constant 2 : i32
    %mul3A_0 = arith.muli %arg1, %mul3A : i32
    %add3A = arith.addi %mul3A_0, %arg0 : i32
    %mul3A_1 = arith.constant 512 : i32
    %mul3A_2 = arith.muli %add3A, %mul3A_1 : i32
    %add3A_3 = arith.constant 0 : i32
    %add3A_4 = arith.addi %mul3A_2, %add3A_3 : i32
    "tpu.region"() ({
      %run_scoped3A = tpu.sem_alloc : memref<!tpu.dma_semaphore, #tpu.memory_space<semaphore_mem>>
      %dma_start3A_19 = tpu.memref_slice %arg3[%add3A_4] : memref<16384xi32, #tpu.memory_space<hbm>> -> memref<256xi32, #tpu.memory_space<hbm>>
      %dma_start3A_20 = tpu.memref_slice %arg3[%add3A_4] : memref<16384xi32, #tpu.memory_space<hbm>> -> memref<256xi32, #tpu.memory_space<hbm>>
      tpu.enqueue_dma source(%dma_start3A_20 : memref<256xi32, #tpu.memory_space<hbm>>) target(%arg5 : memref<256xi32, #tpu.memory_space<vmem>>) target_semaphore(%run_scoped3A : memref<!tpu.dma_semaphore, #tpu.memory_space<semaphore_mem>>)
      %dma_wait3A_21 = tpu.memref_slice %arg3[%add3A_4] : memref<16384xi32, #tpu.memory_space<hbm>> -> memref<256xi32, #tpu.memory_space<hbm>>
      %dma_wait3A_22 = tpu.memref_slice %arg3[%add3A_4] : memref<16384xi32, #tpu.memory_space<hbm>> -> memref<256xi32, #tpu.memory_space<hbm>>
      tpu.wait_dma2 semaphore(%run_scoped3A : memref<!tpu.dma_semaphore, #tpu.memory_space<semaphore_mem>>) src(%dma_wait3A_22 : memref<256xi32, #tpu.memory_space<hbm>>) dst(%arg5 : memref<256xi32, #tpu.memory_space<vmem>>)
      tpu.yield
    }) : () -> ()
    %dma_start3A = arith.constant 0 : i32
    %dma_start3A_5 = arith.constant 0 : i32
    %dma_start3A_6 = tpu.memref_slice %arg2[%dma_start3A, %dma_start3A_5] : memref<1024x256xf32, #tpu.memory_space<hbm>> -> memref<1024x256xf32, #tpu.memory_space<hbm>>
    tpu.enqueue_indirect_dma source(%dma_start3A_6 : memref<1024x256xf32, #tpu.memory_space<hbm>>) target(%arg6 : memref<256x256xf32, #tpu.memory_space<vmem>>) offsets(%arg5 : memref<256xi32, #tpu.memory_space<vmem>>) semaphore(%arg7 : memref<!tpu.dma_semaphore, #tpu.memory_space<semaphore_mem>>)
    %dma_wait3A = arith.constant 0 : i32
    %dma_wait3A_7 = arith.constant 0 : i32
    %dma_wait3A_8 = tpu.memref_slice %arg2[%dma_wait3A, %dma_wait3A_7] : memref<1024x256xf32, #tpu.memory_space<hbm>> -> memref<1024x256xf32, #tpu.memory_space<hbm>>
    tpu.wait_indirect_dma semaphore(%arg7 : memref<!tpu.dma_semaphore, #tpu.memory_space<semaphore_mem>>) src(%dma_wait3A_8 : memref<1024x256xf32, #tpu.memory_space<hbm>>) dst(%arg6 : memref<256x256xf32, #tpu.memory_space<vmem>>)
    "tpu.region"() ({
      %run_scoped3A = tpu.sem_alloc : memref<!tpu.dma_semaphore, #tpu.memory_space<semaphore_mem>>
      %dma_start3A_19 = arith.constant 0 : i32
      %dma_start3A_20 = tpu.memref_slice %arg4[%add3A_4, %dma_start3A_19] : memref<16384x256xf32, #tpu.memory_space<hbm>> -> memref<256x256xf32, #tpu.memory_space<hbm>>
      %dma_start3A_21 = arith.constant 0 : i32
      %dma_start3A_22 = tpu.memref_slice %arg4[%add3A_4, %dma_start3A_21] : memref<16384x256xf32, #tpu.memory_space<hbm>> -> memref<256x256xf32, #tpu.memory_space<hbm>>
      tpu.enqueue_dma source(%arg6 : memref<256x256xf32, #tpu.memory_space<vmem>>) target(%dma_start3A_22 : memref<256x256xf32, #tpu.memory_space<hbm>>) target_semaphore(%run_scoped3A : memref<!tpu.dma_semaphore, #tpu.memory_space<semaphore_mem>>)
      %dma_wait3A_23 = arith.constant 0 : i32
      %dma_wait3A_24 = tpu.memref_slice %arg4[%add3A_4, %dma_wait3A_23] : memref<16384x256xf32, #tpu.memory_space<hbm>> -> memref<256x256xf32, #tpu.memory_space<hbm>>
      %dma_wait3A_25 = arith.constant 0 : i32
      %dma_wait3A_26 = tpu.memref_slice %arg4[%add3A_4, %dma_wait3A_25] : memref<16384x256xf32, #tpu.memory_space<hbm>> -> memref<256x256xf32, #tpu.memory_space<hbm>>
      tpu.wait_dma2 semaphore(%run_scoped3A : memref<!tpu.dma_semaphore, #tpu.memory_space<semaphore_mem>>) src(%arg6 : memref<256x256xf32, #tpu.memory_space<vmem>>) dst(%dma_wait3A_26 : memref<256x256xf32, #tpu.memory_space<hbm>>)
      tpu.yield
    }) : () -> ()
    %mul3A_9 = arith.constant 512 : i32
    %mul3A_10 = arith.muli %add3A, %mul3A_9 : i32
    %add3A_11 = arith.constant 256 : i32
    %add3A_12 = arith.addi %mul3A_10, %add3A_11 : i32
    "tpu.region"() ({
      %run_scoped3A = tpu.sem_alloc : memref<!tpu.dma_semaphore, #tpu.memory_space<semaphore_mem>>
      %dma_start3A_19 = tpu.memref_slice %arg3[%add3A_12] : memref<16384xi32, #tpu.memory_space<hbm>> -> memref<256xi32, #tpu.memory_space<hbm>>
      %dma_start3A_20 = tpu.memref_slice %arg3[%add3A_12] : memref<16384xi32, #tpu.memory_space<hbm>> -> memref<256xi32, #tpu.memory_space<hbm>>
      tpu.enqueue_dma source(%dma_start3A_20 : memref<256xi32, #tpu.memory_space<hbm>>) target(%arg5 : memref<256xi32, #tpu.memory_space<vmem>>) target_semaphore(%run_scoped3A : memref<!tpu.dma_semaphore, #tpu.memory_space<semaphore_mem>>)
      %dma_wait3A_21 = tpu.memref_slice %arg3[%add3A_12] : memref<16384xi32, #tpu.memory_space<hbm>> -> memref<256xi32, #tpu.memory_space<hbm>>
      %dma_wait3A_22 = tpu.memref_slice %arg3[%add3A_12] : memref<16384xi32, #tpu.memory_space<hbm>> -> memref<256xi32, #tpu.memory_space<hbm>>
      tpu.wait_dma2 semaphore(%run_scoped3A : memref<!tpu.dma_semaphore, #tpu.memory_space<semaphore_mem>>) src(%dma_wait3A_22 : memref<256xi32, #tpu.memory_space<hbm>>) dst(%arg5 : memref<256xi32, #tpu.memory_space<vmem>>)
      tpu.yield
    }) : () -> ()
    %dma_start3A_13 = arith.constant 0 : i32
    %dma_start3A_14 = arith.constant 0 : i32
    %dma_start3A_15 = tpu.memref_slice %arg2[%dma_start3A_13, %dma_start3A_14] : memref<1024x256xf32, #tpu.memory_space<hbm>> -> memref<1024x256xf32, #tpu.memory_space<hbm>>
    tpu.enqueue_indirect_dma source(%dma_start3A_15 : memref<1024x256xf32, #tpu.memory_space<hbm>>) target(%arg6 : memref<256x256xf32, #tpu.memory_space<vmem>>) offsets(%arg5 : memref<256xi32, #tpu.memory_space<vmem>>) semaphore(%arg7 : memref<!tpu.dma_semaphore, #tpu.memory_space<semaphore_mem>>)
    %dma_wait3A_16 = arith.constant 0 : i32
    %dma_wait3A_17 = arith.constant 0 : i32
    %dma_wait3A_18 = tpu.memref_slice %arg2[%dma_wait3A_16, %dma_wait3A_17] : memref<1024x256xf32, #tpu.memory_space<hbm>> -> memref<1024x256xf32, #tpu.memory_space<hbm>>
    tpu.wait_indirect_dma semaphore(%arg7 : memref<!tpu.dma_semaphore, #tpu.memory_space<semaphore_mem>>) src(%dma_wait3A_18 : memref<1024x256xf32, #tpu.memory_space<hbm>>) dst(%arg6 : memref<256x256xf32, #tpu.memory_space<vmem>>)
    "tpu.region"() ({
      %run_scoped3A = tpu.sem_alloc : memref<!tpu.dma_semaphore, #tpu.memory_space<semaphore_mem>>
      %dma_start3A_19 = arith.constant 0 : i32
      %dma_start3A_20 = tpu.memref_slice %arg4[%add3A_12, %dma_start3A_19] : memref<16384x256xf32, #tpu.memory_space<hbm>> -> memref<256x256xf32, #tpu.memory_space<hbm>>
      %dma_start3A_21 = arith.constant 0 : i32
      %dma_start3A_22 = tpu.memref_slice %arg4[%add3A_12, %dma_start3A_21] : memref<16384x256xf32, #tpu.memory_space<hbm>> -> memref<256x256xf32, #tpu.memory_space<hbm>>
      tpu.enqueue_dma source(%arg6 : memref<256x256xf32, #tpu.memory_space<vmem>>) target(%dma_start3A_22 : memref<256x256xf32, #tpu.memory_space<hbm>>) target_semaphore(%run_scoped3A : memref<!tpu.dma_semaphore, #tpu.memory_space<semaphore_mem>>)
      %dma_wait3A_23 = arith.constant 0 : i32
      %dma_wait3A_24 = tpu.memref_slice %arg4[%add3A_12, %dma_wait3A_23] : memref<16384x256xf32, #tpu.memory_space<hbm>> -> memref<256x256xf32, #tpu.memory_space<hbm>>
      %dma_wait3A_25 = arith.constant 0 : i32
      %dma_wait3A_26 = tpu.memref_slice %arg4[%add3A_12, %dma_wait3A_25] : memref<16384x256xf32, #tpu.memory_space<hbm>> -> memref<256x256xf32, #tpu.memory_space<hbm>>
      tpu.wait_dma2 semaphore(%run_scoped3A : memref<!tpu.dma_semaphore, #tpu.memory_space<semaphore_mem>>) src(%arg6 : memref<256x256xf32, #tpu.memory_space<vmem>>) dst(%dma_wait3A_26 : memref<256x256xf32, #tpu.memory_space<hbm>>)
      tpu.yield
    }) : () -> ()
    return
  }
}

#map = affine_map<(d0, d1) -> (0, 0)>
#map1 = affine_map<(d0, d1) -> (0)>
module attributes {stable_mosaic.version = 14 : i64} {
  func.func @gk(%arg0: i32, %arg1: i32, %arg2: memref<1024x256xf32, #tpu.memory_space<hbm>>, %arg3: memref<16384xi32, #tpu.memory_space<hbm>>, %arg4: memref<16384x256xf32, #tpu.memory_space<hbm>>, %arg5: memref<256xi32, #tpu.memory_space<vmem>>, %arg6: memref<256x256xf32, #tpu.memory_space<vmem>>, %arg7: memref<!tpu.dma_semaphore, #tpu.memory_space<semaphore_mem>>) attributes {dimension_semantics = [#tpu.dimension_semantics<core_parallel>, #tpu.dimension_semantics<subcore_parallel>], iteration_bounds = array<i64: 2, 16>, scalar_prefetch = 0 : i64, scratch_operands = 3 : i64, tpu.core_type = #tpu.core_type<sc_vector_subcore>, window_params = [{transform_indices = #map}, {transform_indices = #map1}, {transform_indices = #map}]} {
    %mul3A = arith.constant 2 : i32
    %mul3A_0 = arith.muli %arg1, %mul3A : i32
    %add3A = arith.addi %mul3A_0, %arg0 : i32
    %mul3A_1 = arith.constant 512 : i32
    %mul3A_2 = arith.muli %add3A, %mul3A_1 : i32
    %add3A_3 = arith.constant 0 : i32
    %add3A_4 = arith.addi %mul3A_2, %add3A_3 : i32
    "tpu.region"() ({
      %run_scoped3A = tpu.sem_alloc : memref<!tpu.dma_semaphore, #tpu.memory_space<semaphore_mem>>
      %dma_start3A_19 = tpu.memref_slice %arg3[%add3A_4] : memref<16384xi32, #tpu.memory_space<hbm>> -> memref<256xi32, #tpu.memory_space<hbm>>
      %dma_start3A_20 = tpu.memref_slice %arg3[%add3A_4] : memref<16384xi32, #tpu.memory_space<hbm>> -> memref<256xi32, #tpu.memory_space<hbm>>
      tpu.enqueue_dma source(%dma_start3A_20 : memref<256xi32, #tpu.memory_space<hbm>>) target(%arg5 : memref<256xi32, #tpu.memory_space<vmem>>) target_semaphore(%run_scoped3A : memref<!tpu.dma_semaphore, #tpu.memory_space<semaphore_mem>>)
      %dma_wait3A_21 = tpu.memref_slice %arg3[%add3A_4] : memref<16384xi32, #tpu.memory_space<hbm>> -> memref<256xi32, #tpu.memory_space<hbm>>
      %dma_wait3A_22 = tpu.memref_slice %arg3[%add3A_4] : memref<16384xi32, #tpu.memory_space<hbm>> -> memref<256xi32, #tpu.memory_space<hbm>>
      tpu.wait_dma2 semaphore(%run_scoped3A : memref<!tpu.dma_semaphore, #tpu.memory_space<semaphore_mem>>) src(%dma_wait3A_22 : memref<256xi32, #tpu.memory_space<hbm>>) dst(%arg5 : memref<256xi32, #tpu.memory_space<vmem>>)
      tpu.yield
    }) : () -> ()
    %dma_start3A = arith.constant 0 : i32
    %dma_start3A_5 = arith.constant 0 : i32
    %dma_start3A_6 = tpu.memref_slice %arg2[%dma_start3A, %dma_start3A_5] : memref<1024x256xf32, #tpu.memory_space<hbm>> -> memref<1024x256xf32, #tpu.memory_space<hbm>>
    tpu.enqueue_indirect_dma source(%dma_start3A_6 : memref<1024x256xf32, #tpu.memory_space<hbm>>) target(%arg6 : memref<256x256xf32, #tpu.memory_space<vmem>>) offsets(%arg5 : memref<256xi32, #tpu.memory_space<vmem>>) semaphore(%arg7 : memref<!tpu.dma_semaphore, #tpu.memory_space<semaphore_mem>>)
    %dma_wait3A = arith.constant 0 : i32
    %dma_wait3A_7 = arith.constant 0 : i32
    %dma_wait3A_8 = tpu.memref_slice %arg2[%dma_wait3A, %dma_wait3A_7] : memref<1024x256xf32, #tpu.memory_space<hbm>> -> memref<1024x256xf32, #tpu.memory_space<hbm>>
    tpu.wait_indirect_dma semaphore(%arg7 : memref<!tpu.dma_semaphore, #tpu.memory_space<semaphore_mem>>) src(%dma_wait3A_8 : memref<1024x256xf32, #tpu.memory_space<hbm>>) dst(%arg6 : memref<256x256xf32, #tpu.memory_space<vmem>>)
    "tpu.region"() ({
      %run_scoped3A = tpu.sem_alloc : memref<!tpu.dma_semaphore, #tpu.memory_space<semaphore_mem>>
      %dma_start3A_19 = arith.constant 0 : i32
      %dma_start3A_20 = tpu.memref_slice %arg4[%add3A_4, %dma_start3A_19] : memref<16384x256xf32, #tpu.memory_space<hbm>> -> memref<256x256xf32, #tpu.memory_space<hbm>>
      %dma_start3A_21 = arith.constant 0 : i32
      %dma_start3A_22 = tpu.memref_slice %arg4[%add3A_4, %dma_start3A_21] : memref<16384x256xf32, #tpu.memory_space<hbm>> -> memref<256x256xf32, #tpu.memory_space<hbm>>
      tpu.enqueue_dma source(%arg6 : memref<256x256xf32, #tpu.memory_space<vmem>>) target(%dma_start3A_22 : memref<256x256xf32, #tpu.memory_space<hbm>>) target_semaphore(%run_scoped3A : memref<!tpu.dma_semaphore, #tpu.memory_space<semaphore_mem>>)
      %dma_wait3A_23 = arith.constant 0 : i32
      %dma_wait3A_24 = tpu.memref_slice %arg4[%add3A_4, %dma_wait3A_23] : memref<16384x256xf32, #tpu.memory_space<hbm>> -> memref<256x256xf32, #tpu.memory_space<hbm>>
      %dma_wait3A_25 = arith.constant 0 : i32
      %dma_wait3A_26 = tpu.memref_slice %arg4[%add3A_4, %dma_wait3A_25] : memref<16384x256xf32, #tpu.memory_space<hbm>> -> memref<256x256xf32, #tpu.memory_space<hbm>>
      tpu.wait_dma2 semaphore(%run_scoped3A : memref<!tpu.dma_semaphore, #tpu.memory_space<semaphore_mem>>) src(%arg6 : memref<256x256xf32, #tpu.memory_space<vmem>>) dst(%dma_wait3A_26 : memref<256x256xf32, #tpu.memory_space<hbm>>)
      tpu.yield
    }) : () -> ()
    %mul3A_9 = arith.constant 512 : i32
    %mul3A_10 = arith.muli %add3A, %mul3A_9 : i32
    %add3A_11 = arith.constant 256 : i32
    %add3A_12 = arith.addi %mul3A_10, %add3A_11 : i32
    "tpu.region"() ({
      %run_scoped3A = tpu.sem_alloc : memref<!tpu.dma_semaphore, #tpu.memory_space<semaphore_mem>>
      %dma_start3A_19 = tpu.memref_slice %arg3[%add3A_12] : memref<16384xi32, #tpu.memory_space<hbm>> -> memref<256xi32, #tpu.memory_space<hbm>>
      %dma_start3A_20 = tpu.memref_slice %arg3[%add3A_12] : memref<16384xi32, #tpu.memory_space<hbm>> -> memref<256xi32, #tpu.memory_space<hbm>>
      tpu.enqueue_dma source(%dma_start3A_20 : memref<256xi32, #tpu.memory_space<hbm>>) target(%arg5 : memref<256xi32, #tpu.memory_space<vmem>>) target_semaphore(%run_scoped3A : memref<!tpu.dma_semaphore, #tpu.memory_space<semaphore_mem>>)
      %dma_wait3A_21 = tpu.memref_slice %arg3[%add3A_12] : memref<16384xi32, #tpu.memory_space<hbm>> -> memref<256xi32, #tpu.memory_space<hbm>>
      %dma_wait3A_22 = tpu.memref_slice %arg3[%add3A_12] : memref<16384xi32, #tpu.memory_space<hbm>> -> memref<256xi32, #tpu.memory_space<hbm>>
      tpu.wait_dma2 semaphore(%run_scoped3A : memref<!tpu.dma_semaphore, #tpu.memory_space<semaphore_mem>>) src(%dma_wait3A_22 : memref<256xi32, #tpu.memory_space<hbm>>) dst(%arg5 : memref<256xi32, #tpu.memory_space<vmem>>)
      tpu.yield
    }) : () -> ()
    %dma_start3A_13 = arith.constant 0 : i32
    %dma_start3A_14 = arith.constant 0 : i32
    %dma_start3A_15 = tpu.memref_slice %arg2[%dma_start3A_13, %dma_start3A_14] : memref<1024x256xf32, #tpu.memory_space<hbm>> -> memref<1024x256xf32, #tpu.memory_space<hbm>>
    tpu.enqueue_indirect_dma source(%dma_start3A_15 : memref<1024x256xf32, #tpu.memory_space<hbm>>) target(%arg6 : memref<256x256xf32, #tpu.memory_space<vmem>>) offsets(%arg5 : memref<256xi32, #tpu.memory_space<vmem>>) semaphore(%arg7 : memref<!tpu.dma_semaphore, #tpu.memory_space<semaphore_mem>>)
    %dma_wait3A_16 = arith.constant 0 : i32
    %dma_wait3A_17 = arith.constant 0 : i32
    %dma_wait3A_18 = tpu.memref_slice %arg2[%dma_wait3A_16, %dma_wait3A_17] : memref<1024x256xf32, #tpu.memory_space<hbm>> -> memref<1024x256xf32, #tpu.memory_space<hbm>>
    tpu.wait_indirect_dma semaphore(%arg7 : memref<!tpu.dma_semaphore, #tpu.memory_space<semaphore_mem>>) src(%dma_wait3A_18 : memref<1024x256xf32, #tpu.memory_space<hbm>>) dst(%arg6 : memref<256x256xf32, #tpu.memory_space<vmem>>)
    "tpu.region"() ({
      %run_scoped3A = tpu.sem_alloc : memref<!tpu.dma_semaphore, #tpu.memory_space<semaphore_mem>>
      %dma_start3A_19 = arith.constant 0 : i32
      %dma_start3A_20 = tpu.memref_slice %arg4[%add3A_12, %dma_start3A_19] : memref<16384x256xf32, #tpu.memory_space<hbm>> -> memref<256x256xf32, #tpu.memory_space<hbm>>
      %dma_start3A_21 = arith.constant 0 : i32
      %dma_start3A_22 = tpu.memref_slice %arg4[%add3A_12, %dma_start3A_21] : memref<16384x256xf32, #tpu.memory_space<hbm>> -> memref<256x256xf32, #tpu.memory_space<hbm>>
      tpu.enqueue_dma source(%arg6 : memref<256x256xf32, #tpu.memory_space<vmem>>) target(%dma_start3A_22 : memref<256x256xf32, #tpu.memory_space<hbm>>) target_semaphore(%run_scoped3A : memref<!tpu.dma_semaphore, #tpu.memory_space<semaphore_mem>>)
      %dma_wait3A_23 = arith.constant 0 : i32
      %dma_wait3A_24 = tpu.memref_slice %arg4[%add3A_12, %dma_wait3A_23] : memref<16384x256xf32, #tpu.memory_space<hbm>> -> memref<256x256xf32, #tpu.memory_space<hbm>>
      %dma_wait3A_25 = arith.constant 0 : i32
      %dma_wait3A_26 = tpu.memref_slice %arg4[%add3A_12, %dma_wait3A_25] : memref<16384x256xf32, #tpu.memory_space<hbm>> -> memref<256x256xf32, #tpu.memory_space<hbm>>
      tpu.wait_dma2 semaphore(%run_scoped3A : memref<!tpu.dma_semaphore, #tpu.memory_space<semaphore_mem>>) src(%arg6 : memref<256x256xf32, #tpu.memory_space<vmem>>) dst(%dma_wait3A_26 : memref<256x256xf32, #tpu.memory_space<hbm>>)
      tpu.yield
    }) : () -> ()
    return
  }
}

module attributes {stable_mosaic.version = 14 : i64} {
  func.func @_enc_body(%arg0: i32, %arg1: memref<1024x768xf32, #tpu.memory_space<vmem>>, %arg2: memref<1x768xf32, #tpu.memory_space<vmem>>, %arg3: memref<1x768xf32, #tpu.memory_space<vmem>>, %arg4: memref<768x256xf32, #tpu.memory_space<vmem>>, %arg5: memref<1x256xf32, #tpu.memory_space<vmem>>, %arg6: memref<256x256xf32, #tpu.memory_space<vmem>>, %arg7: memref<1x256xf32, #tpu.memory_space<vmem>>, %arg8: memref<1024x256xf32, #tpu.memory_space<vmem>>, %arg9: memref<1024x256xf32, #tpu.memory_space<vmem>>, %arg10: memref<1024x1xi32, #tpu.memory_space<vmem>>) attributes {dimension_semantics = [#tpu.dimension_semantics<arbitrary>], iteration_bounds = array<i64: 16>, scalar_prefetch = 0 : i64, scratch_operands = 0 : i64, tpu.core_type = #tpu.core_type<tc>, window_params = [{transform_indices = @transform_0, window_bounds = array<i64: 1024, 768>}, {pipeline_mode = #tpu.pipeline_mode<synchronous>, transform_indices = @transform_1, window_bounds = array<i64: 1, 768>}, {pipeline_mode = #tpu.pipeline_mode<synchronous>, transform_indices = @transform_2, window_bounds = array<i64: 1, 768>}, {pipeline_mode = #tpu.pipeline_mode<synchronous>, transform_indices = @transform_3, window_bounds = array<i64: 768, 256>}, {pipeline_mode = #tpu.pipeline_mode<synchronous>, transform_indices = @transform_4, window_bounds = array<i64: 1, 256>}, {pipeline_mode = #tpu.pipeline_mode<synchronous>, transform_indices = @transform_5, window_bounds = array<i64: 256, 256>}, {pipeline_mode = #tpu.pipeline_mode<synchronous>, transform_indices = @transform_6, window_bounds = array<i64: 1, 256>}, {pipeline_mode = #tpu.pipeline_mode<synchronous>, transform_indices = @transform_7, window_bounds = array<i64: 1024, 256>}, {transform_indices = @transform_8, window_bounds = array<i64: 1024, 256>}, {transform_indices = @transform_9, window_bounds = array<i64: 1024, 1>}]} {
    %get3A = arith.constant 0 : index
    %get3A_0 = arith.constant 0 : index
    %get3A_1 = vector.load %arg1[%get3A, %get3A_0] : memref<1024x768xf32, #tpu.memory_space<vmem>>, vector<1024x768xf32>
    %reduce_sum3A = arith.constant dense<0.000000e+00> : vector<1024xf32>
    %reduce_sum3A_2 = vector.multi_reduction <add>, %get3A_1, %reduce_sum3A [1] : vector<1024x768xf32> to vector<1024xf32>
    %broadcast_in_dim3A = vector.shape_cast %reduce_sum3A_2 : vector<1024xf32> to vector<1024x1xf32>
    %div3A = arith.constant 7.680000e+02 : f32
    %div3A_3 = vector.broadcast %div3A : f32 to vector<1024x1xf32>
    %div3A_4 = arith.divf %broadcast_in_dim3A, %div3A_3 : vector<1024x1xf32>
    %sub3A = vector.broadcast %div3A_4 : vector<1024x1xf32> to vector<1024x768xf32>
    %sub3A_5 = arith.subf %get3A_1, %sub3A : vector<1024x768xf32>
    %integer_pow3A = arith.mulf %sub3A_5, %sub3A_5 : vector<1024x768xf32>
    %reduce_sum3A_6 = arith.constant dense<0.000000e+00> : vector<1024xf32>
    %reduce_sum3A_7 = vector.multi_reduction <add>, %integer_pow3A, %reduce_sum3A_6 [1] : vector<1024x768xf32> to vector<1024xf32>
    %broadcast_in_dim3A_8 = vector.shape_cast %reduce_sum3A_7 : vector<1024xf32> to vector<1024x1xf32>
    %div3A_9 = arith.constant 7.680000e+02 : f32
    %div3A_10 = vector.broadcast %div3A_9 : f32 to vector<1024x1xf32>
    %div3A_11 = arith.divf %broadcast_in_dim3A_8, %div3A_10 : vector<1024x1xf32>
    %sub3A_12 = vector.broadcast %div3A_4 : vector<1024x1xf32> to vector<1024x768xf32>
    %sub3A_13 = arith.subf %get3A_1, %sub3A_12 : vector<1024x768xf32>
    %add3A = arith.constant 9.99999974E-6 : f32
    %add3A_14 = vector.broadcast %add3A : f32 to vector<1024x1xf32>
    %add3A_15 = arith.addf %div3A_11, %add3A_14 : vector<1024x1xf32>
    %sqrt3A = math.sqrt %add3A_15 : vector<1024x1xf32>
    %div3A_16 = vector.broadcast %sqrt3A : vector<1024x1xf32> to vector<1024x768xf32>
    %div3A_17 = arith.divf %sub3A_13, %div3A_16 : vector<1024x768xf32>
    %get3A_18 = arith.constant 0 : index
    %get3A_19 = arith.constant 0 : index
    %get3A_20 = vector.load %arg2[%get3A_18, %get3A_19] : memref<1x768xf32, #tpu.memory_space<vmem>>, vector<1x768xf32>
    %mul3A = vector.broadcast %get3A_20 : vector<1x768xf32> to vector<1024x768xf32>
    %mul3A_21 = arith.mulf %div3A_17, %mul3A : vector<1024x768xf32>
    %get3A_22 = arith.constant 0 : index
    %get3A_23 = arith.constant 0 : index
    %get3A_24 = vector.load %arg3[%get3A_22, %get3A_23] : memref<1x768xf32, #tpu.memory_space<vmem>>, vector<1x768xf32>
    %add3A_25 = vector.broadcast %get3A_24 : vector<1x768xf32> to vector<1024x768xf32>
    %add3A_26 = arith.addf %mul3A_21, %add3A_25 : vector<1024x768xf32>
    %get3A_27 = arith.constant 0 : index
    %get3A_28 = arith.constant 0 : index
    %get3A_29 = vector.load %arg4[%get3A_27, %get3A_28] : memref<768x256xf32, #tpu.memory_space<vmem>>, vector<768x256xf32>
    %dot_general3A = arith.constant dense<0.000000e+00> : vector<1024x256xf32>
    %dot_general3A_30 = tpu.matmul %add3A_26, %get3A_29, %dot_general3A {dimension_numbers = #tpu.dot_dimension_numbers<[1], [0], [0], [1], [0, 0, 1, 1], [], []>, transpose_lhs_hint = false} : vector<1024x768xf32>, vector<768x256xf32>, vector<1024x256xf32> -> vector<1024x256xf32>
    %get3A_31 = arith.constant 0 : index
    %get3A_32 = arith.constant 0 : index
    %get3A_33 = vector.load %arg5[%get3A_31, %get3A_32] : memref<1x256xf32, #tpu.memory_space<vmem>>, vector<1x256xf32>
    %add3A_34 = vector.broadcast %get3A_33 : vector<1x256xf32> to vector<1024x256xf32>
    %add3A_35 = arith.addf %dot_general3A_30, %add3A_34 : vector<1024x256xf32>
    %max3A = arith.constant 0.000000e+00 : f32
    %max3A_36 = vector.broadcast %max3A : f32 to vector<1024x256xf32>
    %max3A_37 = arith.maximumf %add3A_35, %max3A_36 : vector<1024x256xf32>
    %get3A_38 = arith.constant 0 : index
    %get3A_39 = arith.constant 0 : index
    %get3A_40 = vector.load %arg6[%get3A_38, %get3A_39] : memref<256x256xf32, #tpu.memory_space<vmem>>, vector<256x256xf32>
    %dot_general3A_41 = arith.constant dense<0.000000e+00> : vector<1024x256xf32>
    %dot_general3A_42 = tpu.matmul %max3A_37, %get3A_40, %dot_general3A_41 {dimension_numbers = #tpu.dot_dimension_numbers<[1], [0], [0], [1], [0, 0, 1, 1], [], []>, transpose_lhs_hint = false} : vector<1024x256xf32>, vector<256x256xf32>, vector<1024x256xf32> -> vector<1024x256xf32>
    %get3A_43 = arith.constant 0 : index
    %get3A_44 = arith.constant 0 : index
    %get3A_45 = vector.load %arg7[%get3A_43, %get3A_44] : memref<1x256xf32, #tpu.memory_space<vmem>>, vector<1x256xf32>
    %add3A_46 = vector.broadcast %get3A_45 : vector<1x256xf32> to vector<1024x256xf32>
    %add3A_47 = arith.addf %dot_general3A_42, %add3A_46 : vector<1024x256xf32>
    %swap3A = arith.constant 0 : index
    %swap3A_48 = arith.constant 0 : index
    %swap3A_49 = vector.load %arg9[%swap3A, %swap3A_48] : memref<1024x256xf32, #tpu.memory_space<vmem>>, vector<1024x256xf32>
    tpu.vector_store %arg9[%swap3A, %swap3A_48], %add3A_47 {strides = array<i32>} : memref<1024x256xf32, #tpu.memory_space<vmem>>, vector<1024x256xf32>,
    %get3A_50 = arith.constant 0 : index
    %get3A_51 = arith.constant 0 : index
    %get3A_52 = vector.load %arg8[%get3A_50, %get3A_51] : memref<1024x256xf32, #tpu.memory_space<vmem>>, vector<1024x256xf32>
    %integer_pow3A_53 = arith.mulf %add3A_47, %add3A_47 : vector<1024x256xf32>
    %reduce_sum3A_54 = arith.constant dense<0.000000e+00> : vector<1024xf32>
    %reduce_sum3A_55 = vector.multi_reduction <add>, %integer_pow3A_53, %reduce_sum3A_54 [1] : vector<1024x256xf32> to vector<1024xf32>
    %broadcast_in_dim3A_56 = vector.shape_cast %reduce_sum3A_55 : vector<1024xf32> to vector<1024x1xf32>
    %dot_general3A_57 = arith.constant dense<0.000000e+00> : vector<1024x1024xf32>
    %dot_general3A_58 = tpu.matmul %add3A_47, %get3A_52, %dot_general3A_57 {dimension_numbers = #tpu.dot_dimension_numbers<[1], [1], [0], [0], [0, 0, 1, 0], [], []>, transpose_lhs_hint = false} : vector<1024x256xf32>, vector<1024x256xf32>, vector<1024x1024xf32> -> vector<1024x1024xf32>
    %integer_pow3A_59 = arith.mulf %get3A_52, %get3A_52 : vector<1024x256xf32>
    %reduce_sum3A_60 = arith.constant dense<0.000000e+00> : vector<1024xf32>
    %reduce_sum3A_61 = vector.multi_reduction <add>, %integer_pow3A_59, %reduce_sum3A_60 [1] : vector<1024x256xf32> to vector<1024xf32>
    %broadcast_in_dim3A_62 = vector.shape_cast %reduce_sum3A_61 : vector<1024xf32> to vector<1x1024xf32>
    %mul3A_63 = arith.constant 2.000000e+00 : f32
    %mul3A_64 = vector.broadcast %mul3A_63 : f32 to vector<1024x1024xf32>
    %mul3A_65 = arith.mulf %mul3A_64, %dot_general3A_58 : vector<1024x1024xf32>
    %sub3A_66 = vector.broadcast %broadcast_in_dim3A_56 : vector<1024x1xf32> to vector<1024x1024xf32>
    %sub3A_67 = arith.subf %sub3A_66, %mul3A_65 : vector<1024x1024xf32>
    %add3A_68 = vector.broadcast %broadcast_in_dim3A_62 : vector<1x1024xf32> to vector<1024x1024xf32>
    %add3A_69 = arith.addf %sub3A_67, %add3A_68 : vector<1024x1024xf32>
    %argmin3A = tpu.reduce_index %add3A_69 {axis = 1 : i32, kind = #tpu.reduction_kind<arg_min>} : vector<1024x1024xf32> -> vector<1024xi32>
    %broadcast_in_dim3A_70 = vector.shape_cast %argmin3A : vector<1024xi32> to vector<1024x1xi32>
    %swap3A_71 = arith.constant 0 : index
    %swap3A_72 = arith.constant 0 : index
    %swap3A_73 = vector.load %arg10[%swap3A_71, %swap3A_72] : memref<1024x1xi32, #tpu.memory_space<vmem>>, vector<1024x1xi32>
    tpu.vector_store %arg10[%swap3A_71, %swap3A_72], %broadcast_in_dim3A_70 {strides = array<i32>} : memref<1024x1xi32, #tpu.memory_space<vmem>>, vector<1024x1xi32>,
    return
  }
  func.func @transform_0(%arg0: i32) -> (i32, i32) {
    %c0_i32 = arith.constant 0 : i32
    %c0_i32_0 = arith.constant 0 : i32
    return %arg0, %c0_i32 : i32, i32
  }
  func.func @transform_1(%arg0: i32) -> (i32, i32) {
    %c0_i32 = arith.constant 0 : i32
    %c0_i32_0 = arith.constant 0 : i32
    %c0_i32_1 = arith.constant 0 : i32
    return %c0_i32, %c0_i32_0 : i32, i32
  }
  func.func @transform_2(%arg0: i32) -> (i32, i32) {
    %c0_i32 = arith.constant 0 : i32
    %c0_i32_0 = arith.constant 0 : i32
    %c0_i32_1 = arith.constant 0 : i32
    return %c0_i32, %c0_i32_0 : i32, i32
  }
  func.func @transform_3(%arg0: i32) -> (i32, i32) {
    %c0_i32 = arith.constant 0 : i32
    %c0_i32_0 = arith.constant 0 : i32
    %c0_i32_1 = arith.constant 0 : i32
    return %c0_i32, %c0_i32_0 : i32, i32
  }
  func.func @transform_4(%arg0: i32) -> (i32, i32) {
    %c0_i32 = arith.constant 0 : i32
    %c0_i32_0 = arith.constant 0 : i32
    %c0_i32_1 = arith.constant 0 : i32
    return %c0_i32, %c0_i32_0 : i32, i32
  }
  func.func @transform_5(%arg0: i32) -> (i32, i32) {
    %c0_i32 = arith.constant 0 : i32
    %c0_i32_0 = arith.constant 0 : i32
    %c0_i32_1 = arith.constant 0 : i32
    return %c0_i32, %c0_i32_0 : i32, i32
  }
  func.func @transform_6(%arg0: i32) -> (i32, i32) {
    %c0_i32 = arith.constant 0 : i32
    %c0_i32_0 = arith.constant 0 : i32
    %c0_i32_1 = arith.constant 0 : i32
    return %c0_i32, %c0_i32_0 : i32, i32
  }
  func.func @transform_7(%arg0: i32) -> (i32, i32) {
    %c0_i32 = arith.constant 0 : i32
    %c0_i32_0 = arith.constant 0 : i32
    %c0_i32_1 = arith.constant 0 : i32
    return %c0_i32, %c0_i32_0 : i32, i32
  }
  func.func @transform_8(%arg0: i32) -> (i32, i32) {
    %c0_i32 = arith.constant 0 : i32
    %c0_i32_0 = arith.constant 0 : i32
    return %arg0, %c0_i32 : i32, i32
  }
  func.func @transform_9(%arg0: i32) -> (i32, i32) {
    %c0_i32 = arith.constant 0 : i32
    %c0_i32_0 = arith.constant 0 : i32
    return %arg0, %c0_i32 : i32, i32
  }
}

module attributes {stable_mosaic.version = 14 : i64} {
  func.func @_level_body(%arg0: i32, %arg1: memref<1024x256xf32, #tpu.memory_space<vmem>>, %arg2: memref<1024x256xf32, #tpu.memory_space<vmem>>, %arg3: memref<1024x256xf32, #tpu.memory_space<vmem>>, %arg4: memref<1024x256xf32, #tpu.memory_space<vmem>>, %arg5: memref<1024x1xi32, #tpu.memory_space<vmem>>, %arg6: memref<1x1xf32, #tpu.memory_space<vmem>>) attributes {dimension_semantics = [#tpu.dimension_semantics<arbitrary>], iteration_bounds = array<i64: 16>, scalar_prefetch = 0 : i64, scratch_operands = 0 : i64, tpu.core_type = #tpu.core_type<tc>, window_params = [{transform_indices = @transform_0, window_bounds = array<i64: 1024, 256>}, {transform_indices = @transform_1, window_bounds = array<i64: 1024, 256>}, {pipeline_mode = #tpu.pipeline_mode<synchronous>, transform_indices = @transform_2, window_bounds = array<i64: 1024, 256>}, {transform_indices = @transform_3, window_bounds = array<i64: 1024, 256>}, {transform_indices = @transform_4, window_bounds = array<i64: 1024, 1>}, {pipeline_mode = #tpu.pipeline_mode<synchronous>, transform_indices = @transform_5, window_bounds = array<i64: 1, 1>}]} {
    %get3A = arith.constant 0 : index
    %get3A_0 = arith.constant 0 : index
    %get3A_1 = vector.load %arg1[%get3A, %get3A_0] : memref<1024x256xf32, #tpu.memory_space<vmem>>, vector<1024x256xf32>
    %get3A_2 = arith.constant 0 : index
    %get3A_3 = arith.constant 0 : index
    %get3A_4 = vector.load %arg2[%get3A_2, %get3A_3] : memref<1024x256xf32, #tpu.memory_space<vmem>>, vector<1024x256xf32>
    %sub3A = arith.subf %get3A_1, %get3A_4 : vector<1024x256xf32>
    %swap3A = arith.constant 0 : index
    %swap3A_5 = arith.constant 0 : index
    %swap3A_6 = vector.load %arg4[%swap3A, %swap3A_5] : memref<1024x256xf32, #tpu.memory_space<vmem>>, vector<1024x256xf32>
    tpu.vector_store %arg4[%swap3A, %swap3A_5], %sub3A {strides = array<i32>} : memref<1024x256xf32, #tpu.memory_space<vmem>>, vector<1024x256xf32>,
    %get3A_7 = arith.constant 0 : index
    %get3A_8 = arith.constant 0 : index
    %get3A_9 = vector.load %arg3[%get3A_7, %get3A_8] : memref<1024x256xf32, #tpu.memory_space<vmem>>, vector<1024x256xf32>
    %integer_pow3A = arith.mulf %sub3A, %sub3A : vector<1024x256xf32>
    %reduce_sum3A = arith.constant dense<0.000000e+00> : vector<1024xf32>
    %reduce_sum3A_10 = vector.multi_reduction <add>, %integer_pow3A, %reduce_sum3A [1] : vector<1024x256xf32> to vector<1024xf32>
    %broadcast_in_dim3A = vector.shape_cast %reduce_sum3A_10 : vector<1024xf32> to vector<1024x1xf32>
    %dot_general3A = arith.constant dense<0.000000e+00> : vector<1024x1024xf32>
    %dot_general3A_11 = tpu.matmul %sub3A, %get3A_9, %dot_general3A {dimension_numbers = #tpu.dot_dimension_numbers<[1], [1], [0], [0], [0, 0, 1, 0], [], []>, transpose_lhs_hint = false} : vector<1024x256xf32>, vector<1024x256xf32>, vector<1024x1024xf32> -> vector<1024x1024xf32>
    %integer_pow3A_12 = arith.mulf %get3A_9, %get3A_9 : vector<1024x256xf32>
    %reduce_sum3A_13 = arith.constant dense<0.000000e+00> : vector<1024xf32>
    %reduce_sum3A_14 = vector.multi_reduction <add>, %integer_pow3A_12, %reduce_sum3A_13 [1] : vector<1024x256xf32> to vector<1024xf32>
    %broadcast_in_dim3A_15 = vector.shape_cast %reduce_sum3A_14 : vector<1024xf32> to vector<1x1024xf32>
    %mul3A = arith.constant 2.000000e+00 : f32
    %mul3A_16 = vector.broadcast %mul3A : f32 to vector<1024x1024xf32>
    %mul3A_17 = arith.mulf %mul3A_16, %dot_general3A_11 : vector<1024x1024xf32>
    %sub3A_18 = vector.broadcast %broadcast_in_dim3A : vector<1024x1xf32> to vector<1024x1024xf32>
    %sub3A_19 = arith.subf %sub3A_18, %mul3A_17 : vector<1024x1024xf32>
    %add3A = vector.broadcast %broadcast_in_dim3A_15 : vector<1x1024xf32> to vector<1024x1024xf32>
    %add3A_20 = arith.addf %sub3A_19, %add3A : vector<1024x1024xf32>
    %argmin3A = tpu.reduce_index %add3A_20 {axis = 1 : i32, kind = #tpu.reduction_kind<arg_min>} : vector<1024x1024xf32> -> vector<1024xi32>
    %broadcast_in_dim3A_21 = vector.shape_cast %argmin3A : vector<1024xi32> to vector<1024x1xi32>
    %swap3A_22 = arith.constant 0 : index
    %swap3A_23 = arith.constant 0 : index
    %swap3A_24 = vector.load %arg5[%swap3A_22, %swap3A_23] : memref<1024x1xi32, #tpu.memory_space<vmem>>, vector<1024x1xi32>
    tpu.vector_store %arg5[%swap3A_22, %swap3A_23], %broadcast_in_dim3A_21 {strides = array<i32>} : memref<1024x1xi32, #tpu.memory_space<vmem>>, vector<1024x1xi32>,
    %mul3A_25 = arith.mulf %sub3A, %sub3A : vector<1024x256xf32>
    %reduce_sum3A_26 = vector.shape_cast %mul3A_25 : vector<1024x256xf32> to vector<1x1024x256xf32>
    %reduce_sum3A_27 = arith.constant dense<0.000000e+00> : vector<1xf32>
    %reduce_sum3A_28 = vector.multi_reduction <add>, %reduce_sum3A_26, %reduce_sum3A_27 [1, 2] : vector<1x1024x256xf32> to vector<1xf32>
    %reduce_sum3A_29 = vector.shape_cast %reduce_sum3A_28 : vector<1xf32> to vector<1x1x1xf32>
    %reduce_sum3A_30 = vector.extract %reduce_sum3A_29[0, 0, 0] : f32 from vector<1x1x1xf32>
    %reshape3A = vector.broadcast %reduce_sum3A_30 : f32 to vector<1x1xf32>
    %eq3A = arith.constant 0 : i32
    %eq3A_31 = arith.cmpi eq, %arg0, %eq3A : i32
    %convert_element_type3A = arith.extui %eq3A_31 : i1 to i32
    %cond3A = arith.constant 0 : i32
    %cond3A_32 = arith.cmpi ne, %convert_element_type3A, %cond3A : i32
    scf.if %cond3A_32 {
      %swap3A_37 = arith.constant 0 : index
      %swap3A_38 = arith.constant 0 : index
      %swap3A_39 = vector.load %arg6[%swap3A_37, %swap3A_38] : memref<1x1xf32, #tpu.memory_space<vmem>>, vector<1x1xf32>
      tpu.vector_store %arg6[%swap3A_37, %swap3A_38], %reshape3A {strides = array<i32>} : memref<1x1xf32, #tpu.memory_space<vmem>>, vector<1x1xf32>,
    } else {
    }
    %gt3A = arith.constant 0 : i32
    %gt3A_33 = arith.cmpi sgt, %arg0, %gt3A : i32
    %convert_element_type3A_34 = arith.extui %gt3A_33 : i1 to i32
    %cond3A_35 = arith.constant 0 : i32
    %cond3A_36 = arith.cmpi ne, %convert_element_type3A_34, %cond3A_35 : i32
    scf.if %cond3A_36 {
      %get3A_37 = arith.constant 0 : index
      %get3A_38 = arith.constant 0 : index
      %get3A_39 = vector.load %arg6[%get3A_37, %get3A_38] : memref<1x1xf32, #tpu.memory_space<vmem>>, vector<1x1xf32>
      %add3A_40 = arith.addf %get3A_39, %reshape3A : vector<1x1xf32>
      %swap3A_41 = arith.constant 0 : index
      %swap3A_42 = arith.constant 0 : index
      %swap3A_43 = vector.load %arg6[%swap3A_41, %swap3A_42] : memref<1x1xf32, #tpu.memory_space<vmem>>, vector<1x1xf32>
      tpu.vector_store %arg6[%swap3A_41, %swap3A_42], %add3A_40 {strides = array<i32>} : memref<1x1xf32, #tpu.memory_space<vmem>>, vector<1x1xf32>,
    } else {
    }
    return
  }
  func.func @transform_0(%arg0: i32) -> (i32, i32) {
    %c0_i32 = arith.constant 0 : i32
    %c0_i32_0 = arith.constant 0 : i32
    return %arg0, %c0_i32 : i32, i32
  }
  func.func @transform_1(%arg0: i32) -> (i32, i32) {
    %c0_i32 = arith.constant 0 : i32
    %c0_i32_0 = arith.constant 0 : i32
    return %arg0, %c0_i32 : i32, i32
  }
  func.func @transform_2(%arg0: i32) -> (i32, i32) {
    %c0_i32 = arith.constant 0 : i32
    %c0_i32_0 = arith.constant 0 : i32
    %c0_i32_1 = arith.constant 0 : i32
    return %c0_i32, %c0_i32_0 : i32, i32
  }
  func.func @transform_3(%arg0: i32) -> (i32, i32) {
    %c0_i32 = arith.constant 0 : i32
    %c0_i32_0 = arith.constant 0 : i32
    return %arg0, %c0_i32 : i32, i32
  }
  func.func @transform_4(%arg0: i32) -> (i32, i32) {
    %c0_i32 = arith.constant 0 : i32
    %c0_i32_0 = arith.constant 0 : i32
    return %arg0, %c0_i32 : i32, i32
  }
  func.func @transform_5(%arg0: i32) -> (i32, i32) {
    %c0_i32 = arith.constant 0 : i32
    %c0_i32_0 = arith.constant 0 : i32
    %c0_i32_1 = arith.constant 0 : i32
    return %c0_i32, %c0_i32_0 : i32, i32
  }
}

module attributes {stable_mosaic.version = 14 : i64} {
  func.func @_final_body(%arg0: i32, %arg1: memref<1024x256xf32, #tpu.memory_space<vmem>>, %arg2: memref<1024x256xf32, #tpu.memory_space<vmem>>, %arg3: memref<1024x256xf32, #tpu.memory_space<vmem>>, %arg4: memref<1024x768xf32, #tpu.memory_space<vmem>>, %arg5: memref<256x768xf32, #tpu.memory_space<vmem>>, %arg6: memref<1x768xf32, #tpu.memory_space<vmem>>, %arg7: memref<768x768xf32, #tpu.memory_space<vmem>>, %arg8: memref<1x768xf32, #tpu.memory_space<vmem>>, %arg9: memref<1x1xf32, #tpu.memory_space<vmem>>, %arg10: memref<1x1xf32, #tpu.memory_space<vmem>>, %arg11: memref<1024x768xf32, #tpu.memory_space<vmem>>, %arg12: memref<1x1xf32, #tpu.memory_space<vmem>>, %arg13: memref<1x1xf32, #tpu.memory_space<vmem>>, %arg14: memref<1x1xf32, #tpu.memory_space<vmem>>) attributes {dimension_semantics = [#tpu.dimension_semantics<arbitrary>], iteration_bounds = array<i64: 16>, scalar_prefetch = 0 : i64, scratch_operands = 2 : i64, tpu.core_type = #tpu.core_type<tc>, window_params = [{transform_indices = @transform_0, window_bounds = array<i64: 1024, 256>}, {transform_indices = @transform_1, window_bounds = array<i64: 1024, 256>}, {transform_indices = @transform_2, window_bounds = array<i64: 1024, 256>}, {transform_indices = @transform_3, window_bounds = array<i64: 1024, 768>}, {pipeline_mode = #tpu.pipeline_mode<synchronous>, transform_indices = @transform_4, window_bounds = array<i64: 256, 768>}, {pipeline_mode = #tpu.pipeline_mode<synchronous>, transform_indices = @transform_5, window_bounds = array<i64: 1, 768>}, {pipeline_mode = #tpu.pipeline_mode<synchronous>, transform_indices = @transform_6, window_bounds = array<i64: 768, 768>}, {pipeline_mode = #tpu.pipeline_mode<synchronous>, transform_indices = @transform_7, window_bounds = array<i64: 1, 768>}, {pipeline_mode = #tpu.pipeline_mode<synchronous>, transform_indices = @transform_8, window_bounds = array<i64: 1, 1>}, {pipeline_mode = #tpu.pipeline_mode<synchronous>, transform_indices = @transform_9, window_bounds = array<i64: 1, 1>}, {transform_indices = @transform_10, window_bounds = array<i64: 1024, 768>}, {pipeline_mode = #tpu.pipeline_mode<synchronous>, transform_indices = @transform_11, window_bounds = array<i64: 1, 1>}]} {
    %get3A = arith.constant 0 : index
    %get3A_0 = arith.constant 0 : index
    %get3A_1 = vector.load %arg1[%get3A, %get3A_0] : memref<1024x256xf32, #tpu.memory_space<vmem>>, vector<1024x256xf32>
    %get3A_2 = arith.constant 0 : index
    %get3A_3 = arith.constant 0 : index
    %get3A_4 = vector.load %arg2[%get3A_2, %get3A_3] : memref<1024x256xf32, #tpu.memory_space<vmem>>, vector<1024x256xf32>
    %sub3A = arith.subf %get3A_1, %get3A_4 : vector<1024x256xf32>
    %get3A_5 = arith.constant 0 : index
    %get3A_6 = arith.constant 0 : index
    %get3A_7 = vector.load %arg3[%get3A_5, %get3A_6] : memref<1024x256xf32, #tpu.memory_space<vmem>>, vector<1024x256xf32>
    %sub3A_8 = arith.subf %get3A_7, %sub3A : vector<1024x256xf32>
    %get3A_9 = arith.constant 0 : index
    %get3A_10 = arith.constant 0 : index
    %get3A_11 = vector.load %arg5[%get3A_9, %get3A_10] : memref<256x768xf32, #tpu.memory_space<vmem>>, vector<256x768xf32>
    %dot_general3A = arith.constant dense<0.000000e+00> : vector<1024x768xf32>
    %dot_general3A_12 = tpu.matmul %sub3A_8, %get3A_11, %dot_general3A {dimension_numbers = #tpu.dot_dimension_numbers<[1], [0], [0], [1], [0, 0, 1, 1], [], []>, transpose_lhs_hint = false} : vector<1024x256xf32>, vector<256x768xf32>, vector<1024x768xf32> -> vector<1024x768xf32>
    %get3A_13 = arith.constant 0 : index
    %get3A_14 = arith.constant 0 : index
    %get3A_15 = vector.load %arg6[%get3A_13, %get3A_14] : memref<1x768xf32, #tpu.memory_space<vmem>>, vector<1x768xf32>
    %add3A = vector.broadcast %get3A_15 : vector<1x768xf32> to vector<1024x768xf32>
    %add3A_16 = arith.addf %dot_general3A_12, %add3A : vector<1024x768xf32>
    %max3A = arith.constant 0.000000e+00 : f32
    %max3A_17 = vector.broadcast %max3A : f32 to vector<1024x768xf32>
    %max3A_18 = arith.maximumf %add3A_16, %max3A_17 : vector<1024x768xf32>
    %get3A_19 = arith.constant 0 : index
    %get3A_20 = arith.constant 0 : index
    %get3A_21 = vector.load %arg7[%get3A_19, %get3A_20] : memref<768x768xf32, #tpu.memory_space<vmem>>, vector<768x768xf32>
    %dot_general3A_22 = arith.constant dense<0.000000e+00> : vector<1024x768xf32>
    %dot_general3A_23 = tpu.matmul %max3A_18, %get3A_21, %dot_general3A_22 {dimension_numbers = #tpu.dot_dimension_numbers<[1], [0], [0], [1], [0, 0, 1, 1], [], []>, transpose_lhs_hint = false} : vector<1024x768xf32>, vector<768x768xf32>, vector<1024x768xf32> -> vector<1024x768xf32>
    %get3A_24 = arith.constant 0 : index
    %get3A_25 = arith.constant 0 : index
    %get3A_26 = vector.load %arg8[%get3A_24, %get3A_25] : memref<1x768xf32, #tpu.memory_space<vmem>>, vector<1x768xf32>
    %add3A_27 = vector.broadcast %get3A_26 : vector<1x768xf32> to vector<1024x768xf32>
    %add3A_28 = arith.addf %dot_general3A_23, %add3A_27 : vector<1024x768xf32>
    %swap3A = arith.constant 0 : index
    %swap3A_29 = arith.constant 0 : index
    %swap3A_30 = vector.load %arg11[%swap3A, %swap3A_29] : memref<1024x768xf32, #tpu.memory_space<vmem>>, vector<1024x768xf32>
    tpu.vector_store %arg11[%swap3A, %swap3A_29], %add3A_28 {strides = array<i32>} : memref<1024x768xf32, #tpu.memory_space<vmem>>, vector<1024x768xf32>,
    %get3A_31 = arith.constant 0 : index
    %get3A_32 = arith.constant 0 : index
    %get3A_33 = vector.load %arg4[%get3A_31, %get3A_32] : memref<1024x768xf32, #tpu.memory_space<vmem>>, vector<1024x768xf32>
    %sub3A_34 = arith.subf %add3A_28, %get3A_33 : vector<1024x768xf32>
    %mul3A = arith.mulf %sub3A_34, %sub3A_34 : vector<1024x768xf32>
    %reduce_sum3A = vector.shape_cast %mul3A : vector<1024x768xf32> to vector<1x1024x768xf32>
    %reduce_sum3A_35 = arith.constant dense<0.000000e+00> : vector<1xf32>
    %reduce_sum3A_36 = vector.multi_reduction <add>, %reduce_sum3A, %reduce_sum3A_35 [1, 2] : vector<1x1024x768xf32> to vector<1xf32>
    %reduce_sum3A_37 = vector.shape_cast %reduce_sum3A_36 : vector<1xf32> to vector<1x1x1xf32>
    %reduce_sum3A_38 = vector.extract %reduce_sum3A_37[0, 0, 0] : f32 from vector<1x1x1xf32>
    %reshape3A = vector.broadcast %reduce_sum3A_38 : f32 to vector<1x1xf32>
    %mul3A_39 = arith.mulf %sub3A, %sub3A : vector<1024x256xf32>
    %reduce_sum3A_40 = vector.shape_cast %mul3A_39 : vector<1024x256xf32> to vector<1x1024x256xf32>
    %reduce_sum3A_41 = arith.constant dense<0.000000e+00> : vector<1xf32>
    %reduce_sum3A_42 = vector.multi_reduction <add>, %reduce_sum3A_40, %reduce_sum3A_41 [1, 2] : vector<1x1024x256xf32> to vector<1xf32>
    %reduce_sum3A_43 = vector.shape_cast %reduce_sum3A_42 : vector<1xf32> to vector<1x1x1xf32>
    %reduce_sum3A_44 = vector.extract %reduce_sum3A_43[0, 0, 0] : f32 from vector<1x1x1xf32>
    %reshape3A_45 = vector.broadcast %reduce_sum3A_44 : f32 to vector<1x1xf32>
    %eq3A = arith.constant 0 : i32
    %eq3A_46 = arith.cmpi eq, %arg0, %eq3A : i32
    %convert_element_type3A = arith.extui %eq3A_46 : i1 to i32
    %cond3A = arith.constant 0 : i32
    %cond3A_47 = arith.cmpi ne, %convert_element_type3A, %cond3A : i32
    scf.if %cond3A_47 {
      %swap3A_57 = arith.constant 0 : index
      %swap3A_58 = arith.constant 0 : index
      %swap3A_59 = vector.load %arg13[%swap3A_57, %swap3A_58] : memref<1x1xf32, #tpu.memory_space<vmem>>, vector<1x1xf32>
      tpu.vector_store %arg13[%swap3A_57, %swap3A_58], %reshape3A {strides = array<i32>} : memref<1x1xf32, #tpu.memory_space<vmem>>, vector<1x1xf32>,
      %swap3A_60 = arith.constant 0 : index
      %swap3A_61 = arith.constant 0 : index
      %swap3A_62 = vector.load %arg14[%swap3A_60, %swap3A_61] : memref<1x1xf32, #tpu.memory_space<vmem>>, vector<1x1xf32>
      tpu.vector_store %arg14[%swap3A_60, %swap3A_61], %reshape3A_45 {strides = array<i32>} : memref<1x1xf32, #tpu.memory_space<vmem>>, vector<1x1xf32>,
    } else {
    }
    %gt3A = arith.constant 0 : i32
    %gt3A_48 = arith.cmpi sgt, %arg0, %gt3A : i32
    %convert_element_type3A_49 = arith.extui %gt3A_48 : i1 to i32
    %cond3A_50 = arith.constant 0 : i32
    %cond3A_51 = arith.cmpi ne, %convert_element_type3A_49, %cond3A_50 : i32
    scf.if %cond3A_51 {
      %get3A_57 = arith.constant 0 : index
      %get3A_58 = arith.constant 0 : index
      %get3A_59 = vector.load %arg13[%get3A_57, %get3A_58] : memref<1x1xf32, #tpu.memory_space<vmem>>, vector<1x1xf32>
      %add3A_60 = arith.addf %get3A_59, %reshape3A : vector<1x1xf32>
      %swap3A_61 = arith.constant 0 : index
      %swap3A_62 = arith.constant 0 : index
      %swap3A_63 = vector.load %arg13[%swap3A_61, %swap3A_62] : memref<1x1xf32, #tpu.memory_space<vmem>>, vector<1x1xf32>
      tpu.vector_store %arg13[%swap3A_61, %swap3A_62], %add3A_60 {strides = array<i32>} : memref<1x1xf32, #tpu.memory_space<vmem>>, vector<1x1xf32>,
      %get3A_64 = arith.constant 0 : index
      %get3A_65 = arith.constant 0 : index
      %get3A_66 = vector.load %arg14[%get3A_64, %get3A_65] : memref<1x1xf32, #tpu.memory_space<vmem>>, vector<1x1xf32>
      %add3A_67 = arith.addf %get3A_66, %reshape3A_45 : vector<1x1xf32>
      %swap3A_68 = arith.constant 0 : index
      %swap3A_69 = arith.constant 0 : index
      %swap3A_70 = vector.load %arg14[%swap3A_68, %swap3A_69] : memref<1x1xf32, #tpu.memory_space<vmem>>, vector<1x1xf32>
      tpu.vector_store %arg14[%swap3A_68, %swap3A_69], %add3A_67 {strides = array<i32>} : memref<1x1xf32, #tpu.memory_space<vmem>>, vector<1x1xf32>,
    } else {
    }
    %eq3A_52 = arith.constant 15 : i32
    %eq3A_53 = arith.cmpi eq, %arg0, %eq3A_52 : i32
    %convert_element_type3A_54 = arith.extui %eq3A_53 : i1 to i32
    %cond3A_55 = arith.constant 0 : i32
    %cond3A_56 = arith.cmpi ne, %convert_element_type3A_54, %cond3A_55 : i32
    scf.if %cond3A_56 {
      %get3A_57 = arith.constant 0 : index
      %get3A_58 = arith.constant 0 : index
      %get3A_59 = vector.load %arg13[%get3A_57, %get3A_58] : memref<1x1xf32, #tpu.memory_space<vmem>>, vector<1x1xf32>
      %div3A = arith.constant 0x4B400000 : f32
      %div3A_60 = vector.broadcast %div3A : f32 to vector<1x1xf32>
      %div3A_61 = arith.divf %get3A_59, %div3A_60 : vector<1x1xf32>
      %get3A_62 = arith.constant 0 : index
      %get3A_63 = arith.constant 0 : index
      %get3A_64 = vector.load %arg9[%get3A_62, %get3A_63] : memref<1x1xf32, #tpu.memory_space<vmem>>, vector<1x1xf32>
      %div3A_65 = arith.constant 0x4A800000 : f32
      %div3A_66 = vector.broadcast %div3A_65 : f32 to vector<1x1xf32>
      %div3A_67 = arith.divf %get3A_64, %div3A_66 : vector<1x1xf32>
      %get3A_68 = arith.constant 0 : index
      %get3A_69 = arith.constant 0 : index
      %get3A_70 = vector.load %arg10[%get3A_68, %get3A_69] : memref<1x1xf32, #tpu.memory_space<vmem>>, vector<1x1xf32>
      %div3A_71 = arith.constant 0x4A800000 : f32
      %div3A_72 = vector.broadcast %div3A_71 : f32 to vector<1x1xf32>
      %div3A_73 = arith.divf %get3A_70, %div3A_72 : vector<1x1xf32>
      %get3A_74 = arith.constant 0 : index
      %get3A_75 = arith.constant 0 : index
      %get3A_76 = vector.load %arg14[%get3A_74, %get3A_75] : memref<1x1xf32, #tpu.memory_space<vmem>>, vector<1x1xf32>
      %div3A_77 = arith.constant 0x4A800000 : f32
      %div3A_78 = vector.broadcast %div3A_77 : f32 to vector<1x1xf32>
      %div3A_79 = arith.divf %get3A_76, %div3A_78 : vector<1x1xf32>
      %add3A_80 = arith.addf %div3A_67, %div3A_73 : vector<1x1xf32>
      %add3A_81 = arith.addf %add3A_80, %div3A_79 : vector<1x1xf32>
      %mul3A_82 = arith.constant 2.500000e-01 : f32
      %mul3A_83 = vector.broadcast %mul3A_82 : f32 to vector<1x1xf32>
      %mul3A_84 = arith.mulf %mul3A_83, %add3A_81 : vector<1x1xf32>
      %add3A_85 = arith.addf %div3A_61, %mul3A_84 : vector<1x1xf32>
      %swap3A_86 = arith.constant 0 : index
      %swap3A_87 = arith.constant 0 : index
      %swap3A_88 = vector.load %arg12[%swap3A_86, %swap3A_87] : memref<1x1xf32, #tpu.memory_space<vmem>>, vector<1x1xf32>
      tpu.vector_store %arg12[%swap3A_86, %swap3A_87], %add3A_85 {strides = array<i32>} : memref<1x1xf32, #tpu.memory_space<vmem>>, vector<1x1xf32>,
    } else {
    }
    return
  }
  func.func @transform_0(%arg0: i32) -> (i32, i32) {
    %c0_i32 = arith.constant 0 : i32
    %c0_i32_0 = arith.constant 0 : i32
    return %arg0, %c0_i32 : i32, i32
  }
  func.func @transform_1(%arg0: i32) -> (i32, i32) {
    %c0_i32 = arith.constant 0 : i32
    %c0_i32_0 = arith.constant 0 : i32
    return %arg0, %c0_i32 : i32, i32
  }
  func.func @transform_2(%arg0: i32) -> (i32, i32) {
    %c0_i32 = arith.constant 0 : i32
    %c0_i32_0 = arith.constant 0 : i32
    return %arg0, %c0_i32 : i32, i32
  }
  func.func @transform_3(%arg0: i32) -> (i32, i32) {
    %c0_i32 = arith.constant 0 : i32
    %c0_i32_0 = arith.constant 0 : i32
    return %arg0, %c0_i32 : i32, i32
  }
  func.func @transform_4(%arg0: i32) -> (i32, i32) {
    %c0_i32 = arith.constant 0 : i32
    %c0_i32_0 = arith.constant 0 : i32
    %c0_i32_1 = arith.constant 0 : i32
    return %c0_i32, %c0_i32_0 : i32, i32
  }
  func.func @transform_5(%arg0: i32) -> (i32, i32) {
    %c0_i32 = arith.constant 0 : i32
    %c0_i32_0 = arith.constant 0 : i32
    %c0_i32_1 = arith.constant 0 : i32
    return %c0_i32, %c0_i32_0 : i32, i32
  }
  func.func @transform_6(%arg0: i32) -> (i32, i32) {
    %c0_i32 = arith.constant 0 : i32
    %c0_i32_0 = arith.constant 0 : i32
    %c0_i32_1 = arith.constant 0 : i32
    return %c0_i32, %c0_i32_0 : i32, i32
  }
  func.func @transform_7(%arg0: i32) -> (i32, i32) {
    %c0_i32 = arith.constant 0 : i32
    %c0_i32_0 = arith.constant 0 : i32
    %c0_i32_1 = arith.constant 0 : i32
    return %c0_i32, %c0_i32_0 : i32, i32
  }
  func.func @transform_8(%arg0: i32) -> (i32, i32) {
    %c0_i32 = arith.constant 0 : i32
    %c0_i32_0 = arith.constant 0 : i32
    %c0_i32_1 = arith.constant 0 : i32
    return %c0_i32, %c0_i32_0 : i32, i32
  }
  func.func @transform_9(%arg0: i32) -> (i32, i32) {
    %c0_i32 = arith.constant 0 : i32
    %c0_i32_0 = arith.constant 0 : i32
    %c0_i32_1 = arith.constant 0 : i32
    return %c0_i32, %c0_i32_0 : i32, i32
  }
  func.func @transform_10(%arg0: i32) -> (i32, i32) {
    %c0_i32 = arith.constant 0 : i32
    %c0_i32_0 = arith.constant 0 : i32
    return %arg0, %c0_i32 : i32, i32
  }
  func.func @transform_11(%arg0: i32) -> (i32, i32) {
    %c0_i32 = arith.constant 0 : i32
    %c0_i32_0 = arith.constant 0 : i32
    %c0_i32_1 = arith.constant 0 : i32
    return %c0_i32, %c0_i32_0 : i32, i32
  }
}

</mosaic_0001>

<sc_bundles>
// kernel: kernel.12.cloned.1.call-start
scs
__scs_entry_jumppad:
0x0: {  	(pc) =	sbr.rel $0x88, $3  }
0x1: {  	(tag) =	ssettag $0x0;
	lr =	simm.s32 $0x1  }
0x2: {  	[smem:$0x3F95] =	sst lr;
	_ =	strace $0xD0000000  }
0x3: {  	_ = 	snop  }
0x4: {  	_ = 	snop  }
0x5: {  	_ = 	snop  }
0x6: {  	_ = 	snop  }
0x7: {  	_ = 	snop  }
__scs_overlays_trampoline_lowered:
0x8: {  	[smem:$0x3FA4] =	sst s0  }
0x9: {  	[smem:$0x3FA5] =	sst s1  }
0xa: {  	[smem:$0x3FA6] =	sst s2  }
0xb: {  	[smem:$0x3FA7] =	sst s3  }
0xc: {  	[smem:$0x3FA8] =	sst s4  }
0xd: {  	[smem:$0x3FA9] =	sst s5  }
0xe: {  	[smem:$0x3FAA] =	sst s6  }
0xf: {  	[smem:$0x3FAB] =	sst s7  }
0x10: {  	[smem:$0x3FAC] =	sst s8  }
0x11: {  	[smem:$0x3FAD] =	sst s9;
	s0 =	simm.s32 @!p0 $0x0  }
0x12: {  	s1 =	sld [smem:$0x3F93];
	s0 =	simm.s32 @p0 $0x1  }
0x13: {  	[smem:$0x3FAE] =	sst s0;
	s0 =	simm.s32 @!p1 $0x0  }
0x14: {  	s2 =	sld [smem:$0x3F92];
	s0 =	simm.s32 @p1 $0x1  }
0x15: {  	[smem:$0x3FAF] =	sst s0;
	s0 =	simm.s32 @!p2 $0x0  }
0x16: {  	s3 =	sld [smem:$0x3FDB];
	s0 =	simm.s32 @p2 $0x1  }
0x17: {  	s4 =	simm.s32 $0x1BF5;
	[smem:$0x3FB1] =	sst s0  }
0x18: {  	s0 =	sld [smem:$0x3F94];
	_ =	swait.ge [sflag:s4], $0x0  }
0x19: {  	s7 =	sld [smem:$0x3F95]  }
0x1a: {  	s8 =	sadd.s32 $0xFFFFE003, lr  }
0x1b: {  	s9 =	sadd.s32 $0xFFFFFEF7, lr;
	s5 =	simm.s32 $0xFFFFFFFF;
	p2 =	slt.u32 s8, $0xFFFFF086  }
0x1c: {  	p1 =	slt.u32 s9, $0xF7A;
	s5 =	simm.s32 @!p2 $0x0  }
0x1d: {  	s5 =	simm.s32 @p1 $0x1;
	p0 =	seq.s32 s7, s2  }
0x1e: {  	s7 =	smul.u32 @!p0 $0xF7A, s2;
	p2 =	seq.s32 @!p0 s5, $0x0  }
0x1f: {  	s9 =	smul.u32 $0xF7A, s1;
	s8 =	simm.s32 @!p0 $0x1BF5;
	p2 =	por !p2, p0  }
0x20: {  	[sflag:s8] =	ssyncset.s32 @!p0 $0xFFFFF086;
	s6 =	sadd.s32 @!p0 s3, s7;
	s7 =	simm.s32 @!p0 $0x108  }
0x21: {  	s3 =	sadd.s32 s3, s9;
	s6 =	sadd.s32 @!p0 $0x88, s6;
	s7 =	simm.s32 @p2 $0x1082  }
0x22: {  	[simem:s7], [sflag:s8] =	dma.local @!p0 [hbm:s6], $0xF7A  }
0x23: {  	s9 =	sor.u32 $0xD0000000, s2;
	s6 =	simm.s32 $0x108;
	_ =	swait.ge @!p0 [sflag:s8], $0x0  }
0x24: {  	s3 =	sadd.s32 $0x88, s3;
	s6 =	simm.s32 @!p1 $0x1082;
	[sflag:s4] =	ssyncset.s32 $0xFFFFF086  }
0x25: {  	[simem:s6], [sflag:s4] =	dma.local [hbm:s3], $0xF7A  }
0x26: {  	[smem:$0x3F95] =	sst s1;
	(tag) =	ssettag s2;
	_ =	strace s9  }
0x27: {  	s1 =	sld [smem:$0x3FA5]  }
0x28: {  	s2 =	sld [smem:$0x3FA6]  }
0x29: {  	s4 =	sld [smem:$0x3FA8]  }
0x2a: {  	p0 =	seq.s32 s5, $0x0;
	s5 =	sld [smem:$0x3FA9]  }
0x2b: {  	s6 =	sld [smem:$0x3FAA]  }
0x2c: {  	s7 =	sld [smem:$0x3FAB]  }
0x2d: {  	s3 =	simm.s32 $0x108;
	s8 =	sld [smem:$0x3FAC]  }
0x2e: {  	s3 =	simm.s32 @!p0 $0x1082;
	s9 =	sld [smem:$0x3FAD]  }
0x2f: {  	lr =	sadd.s32 s0, s3;
	s0 =	sld [smem:$0x3FA4]  }
0x30: {  	s3 =	sld [smem:$0x3FA7]  }
0x31: {  	[smem:$0x3FB0] =	sst s10  }
0x32: {  	s10 =	sld [smem:$0x3FAE];
	_ =	sdelay $0x3  }
0x33: {  	p0 =	seq.s32 s10, $0x1;
	s10 =	sld [smem:$0x3FB0];
	_ =	sdelay $0x3  }
0x34: {  	[smem:$0x3FB0] =	sst s10  }
0x35: {  	s10 =	sld [smem:$0x3FAF];
	_ =	sdelay $0x3  }
0x36: {  	p1 =	seq.s32 s10, $0x1;
	s10 =	sld [smem:$0x3FB0];
	_ =	sdelay $0x3  }
0x37: {  	[smem:$0x3FB0] =	sst s10  }
0x38: {  	s10 =	sld [smem:$0x3FB1]  }
0x39: {  	_ = 	snop;
	(pc) =	sbr.ind lr, $3  }
0x3a: {  	_ = 	snop  }
0x3b: {  	_ = 	snop  }
0x3c: {  	p2 =	seq.s32 s10, $0x1;
	s10 =	sld [smem:$0x3FB0]  }
0x3d: {  	_ =	shalt  }
0x3e: {  	_ =	shalt  }
0x3f: {  	_ =	shalt  }
0x40: {  	_ =	shalt  }
0x41: {  	_ =	shalt  }
0x42: {  	_ =	shalt  }
0x43: {  	_ =	shalt  }
0x44: {  	_ =	shalt  }
0x45: {  	_ =	shalt  }
0x46: {  	_ =	shalt  }
0x47: {  	_ =	shalt  }
0x48: {  	_ =	shalt  }
0x49: {  	_ =	shalt  }
0x4a: {  	_ =	shalt  }
0x4b: {  	_ =	shalt  }
0x4c: {  	_ =	shalt  }
0x4d: {  	_ =	shalt  }
0x4e: {  	_ =	shalt  }
0x4f: {  	_ =	shalt  }
0x50: {  	_ =	shalt  }
0x51: {  	_ =	shalt  }
0x52: {  	_ =	shalt  }
0x53: {  	_ =	shalt  }
0x54: {  	_ =	shalt  }
0x55: {  	_ =	shalt  }
0x56: {  	_ =	shalt  }
0x57: {  	_ =	shalt  }
0x58: {  	_ =	shalt  }
0x59: {  	_ =	shalt  }
0x5a: {  	_ =	shalt  }
0x5b: {  	_ =	shalt  }
0x5c: {  	_ =	shalt  }
0x5d: {  	_ =	shalt  }
0x5e: {  	_ =	shalt  }
0x5f: {  	_ =	shalt  }
0x60: {  	_ =	shalt  }
0x61: {  	_ =	shalt  }
0x62: {  	_ =	shalt  }
0x63: {  	_ =	shalt  }
0x64: {  	_ =	shalt  }
0x65: {  	_ =	shalt  }
0x66: {  	_ =	shalt  }
0x67: {  	_ =	shalt  }
0x68: {  	_ =	shalt  }
0x69: {  	_ =	shalt  }
0x6a: {  	_ =	shalt  }
0x6b: {  	_ =	shalt  }
0x6c: {  	_ =	shalt  }
0x6d: {  	_ =	shalt  }
0x6e: {  	_ =	shalt  }
0x6f: {  	_ =	shalt  }
0x70: {  	_ =	shalt  }
0x71: {  	_ =	shalt  }
0x72: {  	_ =	shalt  }
0x73: {  	_ =	shalt  }
0x74: {  	_ =	shalt  }
0x75: {  	_ =	shalt  }
0x76: {  	_ =	shalt  }
0x77: {  	_ =	shalt  }
0x78: {  	_ =	shalt  }
0x79: {  	_ =	shalt  }
0x7a: {  	_ =	shalt  }
0x7b: {  	_ =	shalt  }
0x7c: {  	_ =	shalt  }
0x7d: {  	_ =	shalt  }
0x7e: {  	_ =	shalt  }
0x7f: {  	_ =	shalt  }
0x80: {  	_ =	shalt  }
0x81: {  	_ =	shalt  }
0x82: {  	_ =	shalt  }
0x83: {  	_ =	shalt  }
0x84: {  	_ =	shalt  }
0x85: {  	_ =	shalt  }
0x86: {  	_ =	shalt  }
0x87: {  	_ =	shalt  }
.Lfunc_end0:
.L_simem_size_0:
called_computation.1_lowered:
.L_overlay_start_0:
0x88: {  	s2 =	sld [smem:$0x3FD9]  }
0x89: {  	s3 =	sld [smem:$0x3FFE];
	_ =	sdelay $0x1  }
0x8a: {  	s1 =	srdreg.scid  }
0x8b: {  	s0 =	sand.u32 $0x1, s1  }
0x8c: {  	s14 =	sshll.u32 s0, $0xA;
	s2 =	sadd.s32 s3, s2  }
0x8d: {  	s2 =	sadd.s32 s2, s14  }
0x8e: {  	[smem:$0x3FBC] =	sst s2  }
0x8f: {  	_ = 	snop  }
0x90: {  	s2 =	sld [smem:$0x3FD0];
	_ =	sdelay $0x2  }
0x91: {  	s15 =	simm.s32 $0xA;
	s4 =	simm.s32 $0x10  }
0x92: {  	[smem:s4], [sflag:s15] =	dma.local [hbm:s2], $0x1  }
0x93: {  	_ =	swait.eq [sflag:s15], $0x1  }
0x94: {  	[sflag:s15] =	ssyncset.done $0x0  }
0x95: {  	[sflag:s15] =	ssyncadd.s32 $0xFFFFFFFF  }
0x96: {  	s16 =	sld [smem:$0x12];
	(tm) =	ssettm $0x1  }
0x97: {  	s17 =	sld [smem:$0x3FFB];
	_ =	sdelay $0x3  }
0x98: {  	_ =	strace s17  }
0x99: {  	s3 =	sld [smem:$0x3FFC];
	_ =	sdelay $0x3  }
0x9a: {  	_ =	strace s3  }
0x9b: {  	s3 =	sld [smem:$0x3FFD];
	_ =	sdelay $0x3  }
0x9c: {  	_ =	strace s3  }
0x9d: {  	_ =	strace $0x8FFFFFFF  }
0x9e: {  	s18 =	sld [smem:$0x3FDB];
	_ =	sdelay $0x1  }
0x9f: {  	s19 =	simm.s32 $_scs_section_size  }
0xa0: {  	s5 =	simm.s32 $_size__tile_overlayer_lowered;
	s6 =	simm.s32 $_tile_overlayer_lowered  }
0xa1: {  	s22 =	simm.s32 $0x1BFF;
	s21 =	sshll.u32 s6, $0x1;
	s3 =	sadd.s32 s19, s18  }
0xa2: {  	s7 =	simm.s32 $0x0;
	s20 =	sshll.u32 s5, $0x1;
	s5 =	sadd.s32 s21, s3  }
0xa3: {  	[timem:s7], [sflag:s22] =	dma.local [hbm:s5], s20  }
0xa4: {  	_ =	swait.ge [sflag:s22], s20  }
0xa5: {  	s4 =	ssub.s32 $0x0, s20;
	[sflag:s22] =	ssyncset.done $0x0  }
0xa6: {  	[sflag:s22] =	ssyncadd.s32 s4;
	_ =	sdelay $0x1  }
0xa7: {  	s23 =	simm.s32 $0x1B8B  }
0xa8: {  	_ =	swait.ge [sflag:s23], $0x1  }
0xa9: {  	[sflag:s23] =	ssyncset.done $0x0  }
0xaa: {  	s25 =	simm.s32 $0x1B8E;
	s24 =	sld [smem:$0x3FFE];
	[sflag:s23] =	ssyncadd.s32 $0xFFFFFFFF  }
0xab: {  	s26 =	simm.s32 $execute0_lowered;
	[smem:$0x3FD2] =	sst s25  }
0xac: {  	s5 =	sshll.u32 s26, $0x1;
	_ =	strace $0x80000049;
	[dreg:$0x1] =	wrdreg $0xFFFFFFFF  }
0xad: {  	s28 =	simm.s32 $_size_execute0_lowered;
	s3 =	sadd.s32 s3, s5;
	[dreg:$0x0] =	wrdreg $0x0  }
0xae: {  	s5 =	sshll.u32 s28, $0x1;
	[dreg:$0x2] =	wrdreg s3  }
0xaf: {  	[dreg:$0x3] =	wrdreg s5  }
0xb0: {  	[dreg:$0x4] =	wrdreg $0xC0  }
0xb1: {  	_ =	task [dreg:s7], $0x5FFFF  }
0xb2: {  	[dreg:$0x1] =	wrdreg $0xFFFFFFFF  }
0xb3: {  	[dreg:$0x0] =	wrdreg $0x60  }
0xb4: {  	[dreg:$0x2] =	wrdreg s24  }
0xb5: {  	[dreg:$0x3] =	wrdreg s16  }
0xb6: {  	[dreg:$0x4] =	wrdreg $0x9  }
0xb7: {  	_ =	task.clear_ibuf [dreg:s7], $0x5FFFF;
	_ =	strace $0x90000049  }
0xb8: {  	s29 =	simm.s32 $0x9;
	_ =	strace $0x8000004B  }
0xb9: {  	_ =	swait.ge [sflag:s29], $0x1  }
0xba: {  	[sflag:s29] =	ssyncadd.s32 $0xFFFFFFFF  }
0xbb: {  	_ =	strace $0x9000004B  }
0xbc: {  	_ =	sfence  }
0xbd: {  	s30 =	sld [smem:$0x0];
	_ =	sdelay $0x2  }
0xbe: {  	s31 =	sshll.u32 s1, $0xD;
	s1 =	sshrl.u32 s1, $0x2  }
0xbf: {  	s3 =	sand.u32 $0x4000, s31;
	s1 =	sadd.s32 s1, s30  }
0xc0: {  	s0 =	sor.u32 s3, s0;
	s1 =	sshll.u32 s1, $0x11  }
0xc1: {  	s0 =	sor.u32 s1, s0  }
0xc2: {  	s0 =	sadd.s32 $0x8F2B, s0  }
0xc3: {  	[sflag:s0] =	ssyncadd.remote.s32 $0x1  }
0xc4: {  	_ =	sfence.sel $0xFFFF  }
0xc5: {  	[dreg:$0x0] =	wrdreg $0xFFFFFFFF;
	(pc) =	sbr.abs _section_cstart, $3  }
0xc6: {  	[dreg:$0x1] =	wrdreg $0xFFFFFFFF  }
0xc7: {  	_ =	task.clear_ibuf [dreg:s7], $0x2FFFF;
	_ =	strace $0x9FFFFFFF  }
0xc8: {  	(tm) =	ssettm $0x7FFFFFFF  }
0xc9: {  	_ =	shalt  }
tec
execute0_lowered:
.L_overlay_start_1:
0x0: {  	(tag) =	ssettag $0x1  }
0x1: {  	s0 =	rddreg [dreg:$0x0]  }
0x2: {  	s1 =	rddreg [dreg:$0x1]  }
0x3: {  	s2 =	simm.s32 $0x0;
	s3 =	srdreg.scid;
	s5 =	stileid.u32  }
0x4: {  	s12 =	simm.s32 $0x1;
	s14 =	simm.s32 $0x900;
	s15 =	simm.s32 $0x1100  }
0x5: {  	s16 =	simm.s32 $0x1900;
	s17 =	simm.s32 $0x2100;
	s18 =	simm.s32 $0x2900  }
0x6: {  	s19 =	simm.s32 $0x3100;
	s20 =	simm.s32 $0x3900;
	s21 =	simm.s32 $0x4100  }
0x7: {  	s22 =	simm.s32 $0x4900;
	s23 =	simm.s32 $0x5100;
	s28 =	simm.s32 $0x7100  }
0x8: {  	s29 =	simm.s32 $0x7900;
	s30 =	simm.s32 $0x8100;
	s31 =	simm.s32 $0x8900  }
0x9: {  	s9 =	simm.s32 $0xB100;
	s10 =	simm.s32 $0xB900;
	s11 =	simm.s32 $0xC100  }
0xa: {  	[smem:$0x7FF] =	sst s2;
	s4 =	sand.u32 $0x1, s3;
	s5 =	sshll.u32 s5, $0xA  }
0xb: {  	s3 =	sadd.s32 $0x1E00, s0;
	s0 =	sadd.s32 $0x91E00, s0;
	s6 =	sshll.u32 s4, $0x9  }
0xc: {  	_ =	strace $0x8000004A;
	s4 =	ssub.s32 $0x2, s4;
	s5 =	sor.u32 s6, s5  }
0xd: {  	s24 =	sshrl.u32 s4, $0x1;
	s6 =	simm.s32 $0xC900;
	s7 =	sshrl.u32 s5, $0x3  }
0xe: {  	s8 =	sshll.u32 s5, $0x5;
	s5 =	sor.u32 $0x100, s5;
	s4 =	ssub.s32 s4, s24  }
0xf: {  	s24 =	simm.s32 $0x5900;
	s7 =	sadd.s32 s1, s7;
	s25 =	sadd.s32 s0, s8  }
0x10: {  	s26 =	sshrl.u32 s5, $0x3;
	s5 =	sshll.u32 s5, $0x5;
	[dreg:$0x3] =	wrdreg s7  }
0x11: {  	s4 =	smax.u32 s4, $0x1;
	s8 =	simm.s32 $0xA900;
	[dreg:$0x4] =	wrdreg s25  }
0x12: {  	v2 =	vlaneseq.u32;
	s1 =	sadd.s32 s1, s26;
	s0 =	sadd.s32 s0, s5;
	s5 =	simm.s32 $0x2  }
0x13: {  	vm0 =	vmmov $0xffff;
	v1 =	vshrl.u32 v2, $0x3;
	s25 =	simm.s32 $0x6100;
	s26 =	simm.s32 $0x6900;
	[dreg:$0x5] =	wrdreg s1  }
0x14: {  	v0 =	vand.u32 $0x7, v2;
	v2 =	vor.u32 $0x8, v2;
	v1 =	vmul.u32 $0x8, v1;
	s7 =	simm.s32 $0xA100;
	[dreg:$0x6] =	wrdreg s0;
	s1 =	simm.s32 $0x9900  }
.LBB2_1:
0x15: {  	s13 =	rddreg [dreg:$0x3]  }
0x16: {  	[tilespmem:s2], [sflag:$0x2] =	stream.linear.gather [hbm4b:s13+s2], $0x100, $0x38;
	[tilespmem:$0x10100] =	vst v63  }
0x17: {  	_ =	swait.ge [sflag:s5], $0x100  }
0x18: {  	[sflag:s5] =	ssyncset.done $0x0  }
0x19: {  	[sflag:s5] =	ssyncadd.s32 $0xFFFFFF00  }
0x1a: {  	v3 =	vld [tilespmem:$0x0];
	_ =	sdelay $0x4  }
0x1b: {  	v4 =	vshll.u32 v3, $0x1  }
0x1c: {  	v3 =	vand.u32 $0x7, v3;
	v4 =	vand.u32 $0xFFFFFFF0, v4  }
0x1d: {  	v3 =	vor.u32 v3, v4  }
0x1e: {  	v4 =	vperm.xlane v3, v0;
	_ =	sdelay $0x1  }
0x1f: {  	v3 =	vperm.xlane v3, v2;
	v4 =	vadd.s32 v1, v4;
	_ =	sdelay $0x1  }
0x20: {  	v3 =	vadd.s32 v1, v3;
	_ =	sdelay $0x1  }
0x21: {  	s0 =	simm.s32 $0x100  }
0x22: {  	[tilespmem:s0], [sflag:$0x1] =	stream.indirect_vreg.gather [hbm4b:s3+s2], $0x80, v4, vm0, $0xb8;
	[tilespmem:$0x10100] =	vst v63  }
0x23: {  	_ = 	snop  }
0x24: {  	[tilespmem:s14], [sflag:$0x1] =	stream.indirect_vreg.gather [hbm4b:s3+s2], $0x80, v3, vm0, $0xb8;
	[tilespmem:$0x10100] =	vst v63  }
0x25: {  	v3 =	vld [tilespmem:$0x10];
	_ =	sdelay $0x4  }
0x26: {  	v33 =	vshll.u32 v3, $0x1  }
0x27: {  	v3 =	vand.u32 $0x7, v3;
	v4 =	vand.u32 $0xFFFFFFF0, v33  }
0x28: {  	v3 =	vor.u32 v3, v4  }
0x29: {  	v4 =	vperm.xlane v3, v0;
	_ =	sdelay $0x1  }
0x2a: {  	v3 =	vperm.xlane v3, v2;
	v4 =	vadd.s32 v1, v4;
	_ =	sdelay $0x1  }
0x2b: {  	v3 =	vadd.s32 v1, v3;
	_ =	sdelay $0x2  }
0x2c: {  	[tilespmem:s15], [sflag:$0x1] =	stream.indirect_vreg.gather [hbm4b:s3+s2], $0x80, v4, vm0, $0xb8;
	[tilespmem:$0x10100] =	vst v63  }
0x2d: {  	_ = 	snop  }
0x2e: {  	[tilespmem:s16], [sflag:$0x1] =	stream.indirect_vreg.gather [hbm4b:s3+s2], $0x80, v3, vm0, $0xb8;
	[tilespmem:$0x10100] =	vst v63  }
0x2f: {  	v3 =	vld [tilespmem:$0x20];
	_ =	sdelay $0x4  }
0x30: {  	v34 =	vshll.u32 v3, $0x1  }
0x31: {  	v3 =	vand.u32 $0x7, v3;
	v4 =	vand.u32 $0xFFFFFFF0, v34  }
0x32: {  	v3 =	vor.u32 v3, v4  }
0x33: {  	v4 =	vperm.xlane v3, v0;
	_ =	sdelay $0x1  }
0x34: {  	v3 =	vperm.xlane v3, v2;
	v4 =	vadd.s32 v1, v4;
	_ =	sdelay $0x1  }
0x35: {  	v3 =	vadd.s32 v1, v3;
	_ =	sdelay $0x2  }
0x36: {  	[tilespmem:s17], [sflag:$0x1] =	stream.indirect_vreg.gather [hbm4b:s3+s2], $0x80, v4, vm0, $0xb8;
	[tilespmem:$0x10100] =	vst v63  }
0x37: {  	_ = 	snop  }
0x38: {  	[tilespmem:s18], [sflag:$0x1] =	stream.indirect_vreg.gather [hbm4b:s3+s2], $0x80, v3, vm0, $0xb8;
	[tilespmem:$0x10100] =	vst v63  }
0x39: {  	v3 =	vld [tilespmem:$0x30];
	_ =	sdelay $0x4  }
0x3a: {  	v35 =	vshll.u32 v3, $0x1  }
0x3b: {  	v3 =	vand.u32 $0x7, v3;
	v4 =	vand.u32 $0xFFFFFFF0, v35  }
0x3c: {  	v3 =	vor.u32 v3, v4  }
0x3d: {  	v4 =	vperm.xlane v3, v0;
	_ =	sdelay $0x1  }
0x3e: {  	v3 =	vperm.xlane v3, v2;
	v4 =	vadd.s32 v1, v4;
	_ =	sdelay $0x1  }
0x3f: {  	v3 =	vadd.s32 v1, v3;
	_ =	sdelay $0x2  }
0x40: {  	[tilespmem:s19], [sflag:$0x1] =	stream.indirect_vreg.gather [hbm4b:s3+s2], $0x80, v4, vm0, $0xb8;
	[tilespmem:$0x10100] =	vst v63  }
0x41: {  	_ = 	snop  }
0x42: {  	[tilespmem:s20], [sflag:$0x1] =	stream.indirect_vreg.gather [hbm4b:s3+s2], $0x80, v3, vm0, $0xb8;
	[tilespmem:$0x10100] =	vst v63  }
0x43: {  	v3 =	vld [tilespmem:$0x40];
	_ =	sdelay $0x4  }
0x44: {  	v36 =	vshll.u32 v3, $0x1  }
0x45: {  	v3 =	vand.u32 $0x7, v3;
	v4 =	vand.u32 $0xFFFFFFF0, v36  }
0x46: {  	v3 =	vor.u32 v3, v4  }
0x47: {  	v4 =	vperm.xlane v3, v0;
	_ =	sdelay $0x1  }
0x48: {  	v3 =	vperm.xlane v3, v2;
	v4 =	vadd.s32 v1, v4;
	_ =	sdelay $0x1  }
0x49: {  	v3 =	vadd.s32 v1, v3;
	_ =	sdelay $0x2  }
0x4a: {  	[tilespmem:s21], [sflag:$0x1] =	stream.indirect_vreg.gather [hbm4b:s3+s2], $0x80, v4, vm0, $0xb8;
	[tilespmem:$0x10100] =	vst v63  }
0x4b: {  	_ = 	snop  }
0x4c: {  	[tilespmem:s22], [sflag:$0x1] =	stream.indirect_vreg.gather [hbm4b:s3+s2], $0x80, v3, vm0, $0xb8;
	[tilespmem:$0x10100] =	vst v63  }
0x4d: {  	v3 =	vld [tilespmem:$0x50];
	_ =	sdelay $0x4  }
0x4e: {  	v37 =	vshll.u32 v3, $0x1  }
0x4f: {  	v3 =	vand.u32 $0x7, v3;
	v4 =	vand.u32 $0xFFFFFFF0, v37  }
0x50: {  	v3 =	vor.u32 v3, v4  }
0x51: {  	v4 =	vperm.xlane v3, v0;
	_ =	sdelay $0x1  }
0x52: {  	v3 =	vperm.xlane v3, v2;
	v4 =	vadd.s32 v1, v4;
	_ =	sdelay $0x1  }
0x53: {  	v3 =	vadd.s32 v1, v3;
	_ =	sdelay $0x2  }
0x54: {  	[tilespmem:s23], [sflag:$0x1] =	stream.indirect_vreg.gather [hbm4b:s3+s2], $0x80, v4, vm0, $0xb8;
	[tilespmem:$0x10100] =	vst v63  }
0x55: {  	_ = 	snop  }
0x56: {  	[tilespmem:s24], [sflag:$0x1] =	stream.indirect_vreg.gather [hbm4b:s3+s2], $0x80, v3, vm0, $0xb8;
	[tilespmem:$0x10100] =	vst v63  }
0x57: {  	v3 =	vld [tilespmem:$0x60];
	_ =	sdelay $0x4  }
0x58: {  	v38 =	vshll.u32 v3, $0x1  }
0x59: {  	v3 =	vand.u32 $0x7, v3;
	v4 =	vand.u32 $0xFFFFFFF0, v38  }
0x5a: {  	v3 =	vor.u32 v3, v4  }
0x5b: {  	v4 =	vperm.xlane v3, v0;
	_ =	sdelay $0x1  }
0x5c: {  	v3 =	vperm.xlane v3, v2;
	v4 =	vadd.s32 v1, v4;
	_ =	sdelay $0x1  }
0x5d: {  	v3 =	vadd.s32 v1, v3;
	_ =	sdelay $0x2  }
0x5e: {  	[tilespmem:s25], [sflag:$0x1] =	stream.indirect_vreg.gather [hbm4b:s3+s2], $0x80, v4, vm0, $0xb8;
	[tilespmem:$0x10100] =	vst v63  }
0x5f: {  	_ = 	snop  }
0x60: {  	[tilespmem:s26], [sflag:$0x1] =	stream.indirect_vreg.gather [hbm4b:s3+s2], $0x80, v3, vm0, $0xb8;
	[tilespmem:$0x10100] =	vst v63  }
0x61: {  	v3 =	vld [tilespmem:$0x70];
	_ =	sdelay $0x4  }
0x62: {  	v39 =	vshll.u32 v3, $0x1  }
0x63: {  	v3 =	vand.u32 $0x7, v3;
	v4 =	vand.u32 $0xFFFFFFF0, v39  }
0x64: {  	v3 =	vor.u32 v3, v4  }
0x65: {  	v4 =	vperm.xlane v3, v0;
	_ =	sdelay $0x1  }
0x66: {  	v3 =	vperm.xlane v3, v2;
	v4 =	vadd.s32 v1, v4;
	_ =	sdelay $0x1  }
0x67: {  	v3 =	vadd.s32 v1, v3;
	_ =	sdelay $0x2  }
0x68: {  	[tilespmem:s28], [sflag:$0x1] =	stream.indirect_vreg.gather [hbm4b:s3+s2], $0x80, v4, vm0, $0xb8;
	[tilespmem:$0x10100] =	vst v63  }
0x69: {  	_ = 	snop  }
0x6a: {  	[tilespmem:s29], [sflag:$0x1] =	stream.indirect_vreg.gather [hbm4b:s3+s2], $0x80, v3, vm0, $0xb8;
	[tilespmem:$0x10100] =	vst v63  }
0x6b: {  	v3 =	vld [tilespmem:$0x80];
	_ =	sdelay $0x4  }
0x6c: {  	v40 =	vshll.u32 v3, $0x1  }
0x6d: {  	v3 =	vand.u32 $0x7, v3;
	v4 =	vand.u32 $0xFFFFFFF0, v40  }
0x6e: {  	v3 =	vor.u32 v3, v4  }
0x6f: {  	v4 =	vperm.xlane v3, v0;
	_ =	sdelay $0x1  }
0x70: {  	v3 =	vperm.xlane v3, v2;
	v4 =	vadd.s32 v1, v4;
	_ =	sdelay $0x1  }
0x71: {  	v3 =	vadd.s32 v1, v3;
	_ =	sdelay $0x2  }
0x72: {  	[tilespmem:s30], [sflag:$0x1] =	stream.indirect_vreg.gather [hbm4b:s3+s2], $0x80, v4, vm0, $0xb8;
	[tilespmem:$0x10100] =	vst v63  }
0x73: {  	_ = 	snop  }
0x74: {  	[tilespmem:s31], [sflag:$0x1] =	stream.indirect_vreg.gather [hbm4b:s3+s2], $0x80, v3, vm0, $0xb8;
	[tilespmem:$0x10100] =	vst v63  }
0x75: {  	v3 =	vld [tilespmem:$0x90];
	_ =	sdelay $0x4  }
0x76: {  	v41 =	vshll.u32 v3, $0x1  }
0x77: {  	v3 =	vand.u32 $0x7, v3;
	v4 =	vand.u32 $0xFFFFFFF0, v41  }
0x78: {  	v3 =	vor.u32 v3, v4  }
0x79: {  	v4 =	vperm.xlane v3, v0;
	_ =	sdelay $0x1  }
0x7a: {  	v3 =	vperm.xlane v3, v2;
	v4 =	vadd.s32 v1, v4;
	_ =	sdelay $0x1  }
0x7b: {  	v3 =	vadd.s32 v1, v3;
	_ =	sdelay $0x1  }
0x7c: {  	s13 =	simm.s32 $0x9100  }
0x7d: {  	[tilespmem:s13], [sflag:$0x1] =	stream.indirect_vreg.gather [hbm4b:s3+s2], $0x80, v4, vm0, $0xb8;
	[tilespmem:$0x10100] =	vst v63  }
0x7e: {  	_ = 	snop  }
0x7f: {  	[tilespmem:s1], [sflag:$0x1] =	stream.indirect_vreg.gather [hbm4b:s3+s2], $0x80, v3, vm0, $0xb8;
	[tilespmem:$0x10100] =	vst v63  }
0x80: {  	v3 =	vld [tilespmem:$0xA0];
	_ =	sdelay $0x4  }
0x81: {  	v42 =	vshll.u32 v3, $0x1  }
0x82: {  	v3 =	vand.u32 $0x7, v3;
	v4 =	vand.u32 $0xFFFFFFF0, v42  }
0x83: {  	v3 =	vor.u32 v3, v4  }
0x84: {  	v4 =	vperm.xlane v3, v0;
	_ =	sdelay $0x1  }
0x85: {  	v3 =	vperm.xlane v3, v2;
	v4 =	vadd.s32 v1, v4;
	_ =	sdelay $0x1  }
0x86: {  	v3 =	vadd.s32 v1, v3;
	_ =	sdelay $0x2  }
0x87: {  	[tilespmem:s7], [sflag:$0x1] =	stream.indirect_vreg.gather [hbm4b:s3+s2], $0x80, v4, vm0, $0xb8;
	[tilespmem:$0x10100] =	vst v63  }
0x88: {  	_ = 	snop  }
0x89: {  	[tilespmem:s8], [sflag:$0x1] =	stream.indirect_vreg.gather [hbm4b:s3+s2], $0x80, v3, vm0, $0xb8;
	[tilespmem:$0x10100] =	vst v63  }
0x8a: {  	v3 =	vld [tilespmem:$0xB0];
	_ =	sdelay $0x4  }
0x8b: {  	v43 =	vshll.u32 v3, $0x1  }
0x8c: {  	v3 =	vand.u32 $0x7, v3;
	v4 =	vand.u32 $0xFFFFFFF0, v43  }
0x8d: {  	v3 =	vor.u32 v3, v4  }
0x8e: {  	v4 =	vperm.xlane v3, v0;
	_ =	sdelay $0x1  }
0x8f: {  	v3 =	vperm.xlane v3, v2;
	v4 =	vadd.s32 v1, v4;
	_ =	sdelay $0x1  }
0x90: {  	v3 =	vadd.s32 v1, v3;
	_ =	sdelay $0x2  }
0x91: {  	[tilespmem:s9], [sflag:$0x1] =	stream.indirect_vreg.gather [hbm4b:s3+s2], $0x80, v4, vm0, $0xb8;
	[tilespmem:$0x10100] =	vst v63  }
0x92: {  	_ = 	snop  }
0x93: {  	[tilespmem:s10], [sflag:$0x1] =	stream.indirect_vreg.gather [hbm4b:s3+s2], $0x80, v3, vm0, $0xb8;
	[tilespmem:$0x10100] =	vst v63  }
0x94: {  	v3 =	vld [tilespmem:$0xC0];
	_ =	sdelay $0x4  }
0x95: {  	v44 =	vshll.u32 v3, $0x1  }
0x96: {  	v3 =	vand.u32 $0x7, v3;
	v4 =	vand.u32 $0xFFFFFFF0, v44  }
0x97: {  	v3 =	vor.u32 v3, v4  }
0x98: {  	v4 =	vperm.xlane v3, v0;
	_ =	sdelay $0x1  }
0x99: {  	v3 =	vperm.xlane v3, v2;
	v4 =	vadd.s32 v1, v4;
	_ =	sdelay $0x1  }
0x9a: {  	v3 =	vadd.s32 v1, v3;
	_ =	sdelay $0x2  }
0x9b: {  	[tilespmem:s11], [sflag:$0x1] =	stream.indirect_vreg.gather [hbm4b:s3+s2], $0x80, v4, vm0, $0xb8;
	[tilespmem:$0x10100] =	vst v63  }
0x9c: {  	_ = 	snop  }
0x9d: {  	[tilespmem:s6], [sflag:$0x1] =	stream.indirect_vreg.gather [hbm4b:s3+s2], $0x80, v3, vm0, $0xb8;
	[tilespmem:$0x10100] =	vst v63  }
0x9e: {  	v3 =	vld [tilespmem:$0xD0];
	_ =	sdelay $0x4  }
0x9f: {  	v45 =	vshll.u32 v3, $0x1  }
0xa0: {  	v3 =	vand.u32 $0x7, v3;
	v4 =	vand.u32 $0xFFFFFFF0, v45  }
0xa1: {  	v3 =	vor.u32 v3, v4  }
0xa2: {  	v4 =	vperm.xlane v3, v0;
	_ =	sdelay $0x1  }
0xa3: {  	v3 =	vperm.xlane v3, v2;
	v4 =	vadd.s32 v1, v4;
	_ =	sdelay $0x1  }
0xa4: {  	v3 =	vadd.s32 v1, v3;
	_ =	sdelay $0x1  }
0xa5: {  	s13 =	simm.s32 $0xD100  }
0xa6: {  	[tilespmem:s13], [sflag:$0x1] =	stream.indirect_vreg.gather [hbm4b:s3+s2], $0x80, v4, vm0, $0xb8;
	[tilespmem:$0x10100] =	vst v63  }
0xa7: {  	s13 =	simm.s32 $0xD900  }
0xa8: {  	[tilespmem:s13], [sflag:$0x1] =	stream.indirect_vreg.gather [hbm4b:s3+s2], $0x80, v3, vm0, $0xb8;
	[tilespmem:$0x10100] =	vst v63  }
0xa9: {  	v3 =	vld [tilespmem:$0xE0];
	_ =	sdelay $0x4  }
0xaa: {  	v46 =	vshll.u32 v3, $0x1  }
0xab: {  	v3 =	vand.u32 $0x7, v3;
	v4 =	vand.u32 $0xFFFFFFF0, v46  }
0xac: {  	v3 =	vor.u32 v3, v4  }
0xad: {  	v4 =	vperm.xlane v3, v0;
	_ =	sdelay $0x1  }
0xae: {  	v3 =	vperm.xlane v3, v2;
	v4 =	vadd.s32 v1, v4;
	_ =	sdelay $0x1  }
0xaf: {  	v3 =	vadd.s32 v1, v3;
	_ =	sdelay $0x1  }
0xb0: {  	s13 =	simm.s32 $0xE100  }
0xb1: {  	[tilespmem:s13], [sflag:$0x1] =	stream.indirect_vreg.gather [hbm4b:s3+s2], $0x80, v4, vm0, $0xb8;
	[tilespmem:$0x10100] =	vst v63  }
0xb2: {  	s13 =	simm.s32 $0xE900  }
0xb3: {  	[tilespmem:s13], [sflag:$0x1] =	stream.indirect_vreg.gather [hbm4b:s3+s2], $0x80, v3, vm0, $0xb8;
	[tilespmem:$0x10100] =	vst v63  }
0xb4: {  	v3 =	vld [tilespmem:$0xF0];
	_ =	sdelay $0x4  }
0xb5: {  	v47 =	vshll.u32 v3, $0x1  }
0xb6: {  	v3 =	vand.u32 $0x7, v3;
	v4 =	vand.u32 $0xFFFFFFF0, v47  }
0xb7: {  	v3 =	vor.u32 v3, v4  }
0xb8: {  	v4 =	vperm.xlane v3, v0;
	_ =	sdelay $0x1  }
0xb9: {  	v3 =	vperm.xlane v3, v2;
	v4 =	vadd.s32 v1, v4;
	_ =	sdelay $0x1  }
0xba: {  	v3 =	vadd.s32 v1, v3;
	_ =	sdelay $0x1  }
0xbb: {  	s13 =	simm.s32 $0xF100  }
0xbc: {  	[tilespmem:s13], [sflag:$0x1] =	stream.indirect_vreg.gather [hbm4b:s3+s2], $0x80, v4, vm0, $0xb8;
	[tilespmem:$0x10100] =	vst v63  }
0xbd: {  	s13 =	simm.s32 $0xF900  }
0xbe: {  	[tilespmem:s13], [sflag:$0x1] =	stream.indirect_vreg.gather [hbm4b:s3+s2], $0x80, v3, vm0, $0xb8;
	[tilespmem:$0x10100] =	vst v63  }
0xbf: {  	_ =	swait.ge [sflag:s12], $0x10000  }
0xc0: {  	[sflag:s12] =	ssyncset.done $0x0  }
0xc1: {  	s0 =	simm.s32 $0x100;
	s13 =	rddreg [dreg:$0x4];
	[sflag:s12] =	ssyncadd.s32 $0xFFFF0000  }
0xc2: {  	[hbm4b:s13+s2] =	stream.linear.scatter [tilespmem:s0], [sflag:$0x2], $0x10000, $0x38;
	[tilespmem:$0x10100] =	vst v63  }
0xc3: {  	_ =	swait.ge [sflag:s5], $0x10000  }
0xc4: {  	[sflag:s5] =	ssyncset.done $0x0  }
0xc5: {  	s13 =	rddreg [dreg:$0x5];
	[sflag:s5] =	ssyncadd.s32 $0xFFFF0000  }
0xc6: {  	[tilespmem:s2], [sflag:$0x2] =	stream.linear.gather [hbm4b:s13+s2], $0x100, $0x38;
	[tilespmem:$0x10100] =	vst v63  }
0xc7: {  	_ =	swait.ge [sflag:s5], $0x100  }
0xc8: {  	[sflag:s5] =	ssyncset.done $0x0  }
0xc9: {  	[sflag:s5] =	ssyncadd.s32 $0xFFFFFF00  }
0xca: {  	v3 =	vld [tilespmem:$0x0];
	_ =	sdelay $0x4  }
0xcb: {  	v48 =	vshll.u32 v3, $0x1  }
0xcc: {  	v3 =	vand.u32 $0x7, v3;
	v4 =	vand.u32 $0xFFFFFFF0, v48  }
0xcd: {  	v3 =	vor.u32 v3, v4  }
0xce: {  	v4 =	vperm.xlane v3, v0;
	_ =	sdelay $0x1  }
0xcf: {  	v3 =	vperm.xlane v3, v2;
	v4 =	vadd.s32 v1, v4;
	_ =	sdelay $0x1  }
0xd0: {  	v3 =	vadd.s32 v1, v3;
	_ =	sdelay $0x2  }
0xd1: {  	[tilespmem:s0], [sflag:$0x1] =	stream.indirect_vreg.gather [hbm4b:s3+s2], $0x80, v4, vm0, $0xb8;
	[tilespmem:$0x10100] =	vst v63  }
0xd2: {  	_ = 	snop  }
0xd3: {  	[tilespmem:s14], [sflag:$0x1] =	stream.indirect_vreg.gather [hbm4b:s3+s2], $0x80, v3, vm0, $0xb8;
	[tilespmem:$0x10100] =	vst v63  }
0xd4: {  	v3 =	vld [tilespmem:$0x10];
	_ =	sdelay $0x4  }
0xd5: {  	v49 =	vshll.u32 v3, $0x1  }
0xd6: {  	v3 =	vand.u32 $0x7, v3;
	v4 =	vand.u32 $0xFFFFFFF0, v49  }
0xd7: {  	v3 =	vor.u32 v3, v4  }
0xd8: {  	v4 =	vperm.xlane v3, v0;
	_ =	sdelay $0x1  }
0xd9: {  	v3 =	vperm.xlane v3, v2;
	v4 =	vadd.s32 v1, v4;
	_ =	sdelay $0x1  }
0xda: {  	v3 =	vadd.s32 v1, v3;
	_ =	sdelay $0x2  }
0xdb: {  	[tilespmem:s15], [sflag:$0x1] =	stream.indirect_vreg.gather [hbm4b:s3+s2], $0x80, v4, vm0, $0xb8;
	[tilespmem:$0x10100] =	vst v63  }
0xdc: {  	_ = 	snop  }
0xdd: {  	[tilespmem:s16], [sflag:$0x1] =	stream.indirect_vreg.gather [hbm4b:s3+s2], $0x80, v3, vm0, $0xb8;
	[tilespmem:$0x10100] =	vst v63  }
0xde: {  	v3 =	vld [tilespmem:$0x20];
	_ =	sdelay $0x4  }
0xdf: {  	v50 =	vshll.u32 v3, $0x1  }
0xe0: {  	v3 =	vand.u32 $0x7, v3;
	v4 =	vand.u32 $0xFFFFFFF0, v50  }
0xe1: {  	v3 =	vor.u32 v3, v4  }
0xe2: {  	v4 =	vperm.xlane v3, v0;
	_ =	sdelay $0x1  }
0xe3: {  	v3 =	vperm.xlane v3, v2;
	v4 =	vadd.s32 v1, v4;
	_ =	sdelay $0x1  }
0xe4: {  	v3 =	vadd.s32 v1, v3;
	_ =	sdelay $0x2  }
0xe5: {  	[tilespmem:s17], [sflag:$0x1] =	stream.indirect_vreg.gather [hbm4b:s3+s2], $0x80, v4, vm0, $0xb8;
	[tilespmem:$0x10100] =	vst v63  }
0xe6: {  	_ = 	snop  }
0xe7: {  	[tilespmem:s18], [sflag:$0x1] =	stream.indirect_vreg.gather [hbm4b:s3+s2], $0x80, v3, vm0, $0xb8;
	[tilespmem:$0x10100] =	vst v63  }
0xe8: {  	v3 =	vld [tilespmem:$0x30];
	_ =	sdelay $0x4  }
0xe9: {  	v51 =	vshll.u32 v3, $0x1  }
0xea: {  	v3 =	vand.u32 $0x7, v3;
	v4 =	vand.u32 $0xFFFFFFF0, v51  }
0xeb: {  	v3 =	vor.u32 v3, v4  }
0xec: {  	v4 =	vperm.xlane v3, v0;
	_ =	sdelay $0x1  }
0xed: {  	v3 =	vperm.xlane v3, v2;
	v4 =	vadd.s32 v1, v4;
	_ =	sdelay $0x1  }
0xee: {  	v3 =	vadd.s32 v1, v3;
	_ =	sdelay $0x2  }
0xef: {  	[tilespmem:s19], [sflag:$0x1] =	stream.indirect_vreg.gather [hbm4b:s3+s2], $0x80, v4, vm0, $0xb8;
	[tilespmem:$0x10100] =	vst v63  }
0xf0: {  	_ = 	snop  }
0xf1: {  	[tilespmem:s20], [sflag:$0x1] =	stream.indirect_vreg.gather [hbm4b:s3+s2], $0x80, v3, vm0, $0xb8;
	[tilespmem:$0x10100] =	vst v63  }
0xf2: {  	v3 =	vld [tilespmem:$0x40];
	_ =	sdelay $0x4  }
0xf3: {  	v52 =	vshll.u32 v3, $0x1  }
0xf4: {  	v3 =	vand.u32 $0x7, v3;
	v4 =	vand.u32 $0xFFFFFFF0, v52  }
0xf5: {  	v3 =	vor.u32 v3, v4  }
0xf6: {  	v4 =	vperm.xlane v3, v0;
	_ =	sdelay $0x1  }
0xf7: {  	v3 =	vperm.xlane v3, v2;
	v4 =	vadd.s32 v1, v4;
	_ =	sdelay $0x1  }
0xf8: {  	v3 =	vadd.s32 v1, v3;
	_ =	sdelay $0x2  }
0xf9: {  	[tilespmem:s21], [sflag:$0x1] =	stream.indirect_vreg.gather [hbm4b:s3+s2], $0x80, v4, vm0, $0xb8;
	[tilespmem:$0x10100] =	vst v63  }
0xfa: {  	_ = 	snop  }
0xfb: {  	[tilespmem:s22], [sflag:$0x1] =	stream.indirect_vreg.gather [hbm4b:s3+s2], $0x80, v3, vm0, $0xb8;
	[tilespmem:$0x10100] =	vst v63  }
0xfc: {  	v3 =	vld [tilespmem:$0x50];
	_ =	sdelay $0x4  }
0xfd: {  	v53 =	vshll.u32 v3, $0x1  }
0xfe: {  	v3 =	vand.u32 $0x7, v3;
	v4 =	vand.u32 $0xFFFFFFF0, v53  }
0xff: {  	v3 =	vor.u32 v3, v4  }
0x100: {  	v4 =	vperm.xlane v3, v0;
	_ =	sdelay $0x1  }
0x101: {  	v3 =	vperm.xlane v3, v2;
	v4 =	vadd.s32 v1, v4;
	_ =	sdelay $0x1  }
0x102: {  	v3 =	vadd.s32 v1, v3;
	_ =	sdelay $0x2  }
0x103: {  	[tilespmem:s23], [sflag:$0x1] =	stream.indirect_vreg.gather [hbm4b:s3+s2], $0x80, v4, vm0, $0xb8;
	[tilespmem:$0x10100] =	vst v63  }
0x104: {  	_ = 	snop  }
0x105: {  	[tilespmem:s24], [sflag:$0x1] =	stream.indirect_vreg.gather [hbm4b:s3+s2], $0x80, v3, vm0, $0xb8;
	[tilespmem:$0x10100] =	vst v63  }
0x106: {  	v3 =	vld [tilespmem:$0x60];
	_ =	sdelay $0x4  }
0x107: {  	v54 =	vshll.u32 v3, $0x1  }
0x108: {  	v3 =	vand.u32 $0x7, v3;
	v4 =	vand.u32 $0xFFFFFFF0, v54  }
0x109: {  	v3 =	vor.u32 v3, v4  }
0x10a: {  	v4 =	vperm.xlane v3, v0;
	_ =	sdelay $0x1  }
0x10b: {  	v3 =	vperm.xlane v3, v2;
	v4 =	vadd.s32 v1, v4;
	_ =	sdelay $0x1  }
0x10c: {  	v3 =	vadd.s32 v1, v3;
	_ =	sdelay $0x2  }
0x10d: {  	[tilespmem:s25], [sflag:$0x1] =	stream.indirect_vreg.gather [hbm4b:s3+s2], $0x80, v4, vm0, $0xb8;
	[tilespmem:$0x10100] =	vst v63  }
0x10e: {  	_ = 	snop  }
0x10f: {  	[tilespmem:s26], [sflag:$0x1] =	stream.indirect_vreg.gather [hbm4b:s3+s2], $0x80, v3, vm0, $0xb8;
	[tilespmem:$0x10100] =	vst v63  }
0x110: {  	v3 =	vld [tilespmem:$0x70];
	_ =	sdelay $0x4  }
0x111: {  	v55 =	vshll.u32 v3, $0x1  }
0x112: {  	v3 =	vand.u32 $0x7, v3;
	v4 =	vand.u32 $0xFFFFFFF0, v55  }
0x113: {  	v3 =	vor.u32 v3, v4  }
0x114: {  	v4 =	vperm.xlane v3, v0;
	_ =	sdelay $0x1  }
0x115: {  	v3 =	vperm.xlane v3, v2;
	v4 =	vadd.s32 v1, v4;
	_ =	sdelay $0x1  }
0x116: {  	v3 =	vadd.s32 v1, v3;
	_ =	sdelay $0x2  }
0x117: {  	[tilespmem:s28], [sflag:$0x1] =	stream.indirect_vreg.gather [hbm4b:s3+s2], $0x80, v4, vm0, $0xb8;
	[tilespmem:$0x10100] =	vst v63  }
0x118: {  	_ = 	snop  }
0x119: {  	[tilespmem:s29], [sflag:$0x1] =	stream.indirect_vreg.gather [hbm4b:s3+s2], $0x80, v3, vm0, $0xb8;
	[tilespmem:$0x10100] =	vst v63  }
0x11a: {  	v3 =	vld [tilespmem:$0x80];
	_ =	sdelay $0x4  }
0x11b: {  	v56 =	vshll.u32 v3, $0x1  }
0x11c: {  	v3 =	vand.u32 $0x7, v3;
	v4 =	vand.u32 $0xFFFFFFF0, v56  }
0x11d: {  	v3 =	vor.u32 v3, v4  }
0x11e: {  	v4 =	vperm.xlane v3, v0;
	_ =	sdelay $0x1  }
0x11f: {  	v3 =	vperm.xlane v3, v2;
	v4 =	vadd.s32 v1, v4;
	_ =	sdelay $0x1  }
0x120: {  	v3 =	vadd.s32 v1, v3;
	_ =	sdelay $0x2  }
0x121: {  	[tilespmem:s30], [sflag:$0x1] =	stream.indirect_vreg.gather [hbm4b:s3+s2], $0x80, v4, vm0, $0xb8;
	[tilespmem:$0x10100] =	vst v63  }
0x122: {  	_ = 	snop  }
0x123: {  	[tilespmem:s31], [sflag:$0x1] =	stream.indirect_vreg.gather [hbm4b:s3+s2], $0x80, v3, vm0, $0xb8;
	[tilespmem:$0x10100] =	vst v63  }
0x124: {  	v3 =	vld [tilespmem:$0x90];
	_ =	sdelay $0x4  }
0x125: {  	v57 =	vshll.u32 v3, $0x1  }
0x126: {  	v3 =	vand.u32 $0x7, v3;
	v4 =	vand.u32 $0xFFFFFFF0, v57  }
0x127: {  	v3 =	vor.u32 v3, v4  }
0x128: {  	v4 =	vperm.xlane v3, v0;
	_ =	sdelay $0x1  }
0x129: {  	v3 =	vperm.xlane v3, v2;
	v4 =	vadd.s32 v1, v4;
	_ =	sdelay $0x1  }
0x12a: {  	v3 =	vadd.s32 v1, v3;
	_ =	sdelay $0x1  }
0x12b: {  	s13 =	simm.s32 $0x9100  }
0x12c: {  	[tilespmem:s13], [sflag:$0x1] =	stream.indirect_vreg.gather [hbm4b:s3+s2], $0x80, v4, vm0, $0xb8;
	[tilespmem:$0x10100] =	vst v63  }
0x12d: {  	_ = 	snop  }
0x12e: {  	[tilespmem:s1], [sflag:$0x1] =	stream.indirect_vreg.gather [hbm4b:s3+s2], $0x80, v3, vm0, $0xb8;
	[tilespmem:$0x10100] =	vst v63  }
0x12f: {  	v3 =	vld [tilespmem:$0xA0];
	_ =	sdelay $0x4  }
0x130: {  	v58 =	vshll.u32 v3, $0x1  }
0x131: {  	v3 =	vand.u32 $0x7, v3;
	v4 =	vand.u32 $0xFFFFFFF0, v58  }
0x132: {  	v3 =	vor.u32 v3, v4  }
0x133: {  	v4 =	vperm.xlane v3, v0;
	_ =	sdelay $0x1  }
0x134: {  	v3 =	vperm.xlane v3, v2;
	v4 =	vadd.s32 v1, v4;
	_ =	sdelay $0x1  }
0x135: {  	v3 =	vadd.s32 v1, v3;
	_ =	sdelay $0x2  }
0x136: {  	[tilespmem:s7], [sflag:$0x1] =	stream.indirect_vreg.gather [hbm4b:s3+s2], $0x80, v4, vm0, $0xb8;
	[tilespmem:$0x10100] =	vst v63  }
0x137: {  	_ = 	snop  }
0x138: {  	[tilespmem:s8], [sflag:$0x1] =	stream.indirect_vreg.gather [hbm4b:s3+s2], $0x80, v3, vm0, $0xb8;
	[tilespmem:$0x10100] =	vst v63  }
0x139: {  	v3 =	vld [tilespmem:$0xB0];
	_ =	sdelay $0x4  }
0x13a: {  	v59 =	vshll.u32 v3, $0x1  }
0x13b: {  	v3 =	vand.u32 $0x7, v3;
	v4 =	vand.u32 $0xFFFFFFF0, v59  }
0x13c: {  	v3 =	vor.u32 v3, v4  }
0x13d: {  	v4 =	vperm.xlane v3, v0;
	_ =	sdelay $0x1  }
0x13e: {  	v3 =	vperm.xlane v3, v2;
	v4 =	vadd.s32 v1, v4;
	_ =	sdelay $0x1  }
0x13f: {  	v3 =	vadd.s32 v1, v3;
	_ =	sdelay $0x2  }
0x140: {  	[tilespmem:s9], [sflag:$0x1] =	stream.indirect_vreg.gather [hbm4b:s3+s2], $0x80, v4, vm0, $0xb8;
	[tilespmem:$0x10100] =	vst v63  }
0x141: {  	_ = 	snop  }
0x142: {  	[tilespmem:s10], [sflag:$0x1] =	stream.indirect_vreg.gather [hbm4b:s3+s2], $0x80, v3, vm0, $0xb8;
	[tilespmem:$0x10100] =	vst v63  }
0x143: {  	v3 =	vld [tilespmem:$0xC0];
	_ =	sdelay $0x4  }
0x144: {  	v60 =	vshll.u32 v3, $0x1  }
0x145: {  	v3 =	vand.u32 $0x7, v3;
	v4 =	vand.u32 $0xFFFFFFF0, v60  }
0x146: {  	v3 =	vor.u32 v3, v4  }
0x147: {  	v4 =	vperm.xlane v3, v0;
	_ =	sdelay $0x1  }
0x148: {  	v3 =	vperm.xlane v3, v2;
	v4 =	vadd.s32 v1, v4;
	_ =	sdelay $0x1  }
0x149: {  	v3 =	vadd.s32 v1, v3;
	_ =	sdelay $0x2  }
0x14a: {  	[tilespmem:s11], [sflag:$0x1] =	stream.indirect_vreg.gather [hbm4b:s3+s2], $0x80, v4, vm0, $0xb8;
	[tilespmem:$0x10100] =	vst v63  }
0x14b: {  	_ = 	snop  }
0x14c: {  	[tilespmem:s6], [sflag:$0x1] =	stream.indirect_vreg.gather [hbm4b:s3+s2], $0x80, v3, vm0, $0xb8;
	[tilespmem:$0x10100] =	vst v63  }
0x14d: {  	v3 =	vld [tilespmem:$0xD0];
	_ =	sdelay $0x4  }
0x14e: {  	v61 =	vshll.u32 v3, $0x1  }
0x14f: {  	v3 =	vand.u32 $0x7, v3;
	v4 =	vand.u32 $0xFFFFFFF0, v61  }
0x150: {  	v3 =	vor.u32 v3, v4  }
0x151: {  	v4 =	vperm.xlane v3, v0;
	_ =	sdelay $0x1  }
0x152: {  	v3 =	vperm.xlane v3, v2;
	v4 =	vadd.s32 v1, v4;
	_ =	sdelay $0x1  }
0x153: {  	v3 =	vadd.s32 v1, v3;
	_ =	sdelay $0x1  }
0x154: {  	s13 =	simm.s32 $0xD100  }
0x155: {  	[tilespmem:s13], [sflag:$0x1] =	stream.indirect_vreg.gather [hbm4b:s3+s2], $0x80, v4, vm0, $0xb8;
	[tilespmem:$0x10100] =	vst v63  }
0x156: {  	s13 =	simm.s32 $0xD900  }
0x157: {  	[tilespmem:s13], [sflag:$0x1] =	stream.indirect_vreg.gather [hbm4b:s3+s2], $0x80, v3, vm0, $0xb8;
	[tilespmem:$0x10100] =	vst v63  }
0x158: {  	v3 =	vld [tilespmem:$0xE0];
	_ =	sdelay $0x4  }
0x159: {  	v62 =	vshll.u32 v3, $0x1  }
0x15a: {  	v3 =	vand.u32 $0x7, v3;
	v4 =	vand.u32 $0xFFFFFFF0, v62  }
0x15b: {  	v3 =	vor.u32 v3, v4  }
0x15c: {  	v4 =	vperm.xlane v3, v0;
	_ =	sdelay $0x1  }
0x15d: {  	v3 =	vperm.xlane v3, v2;
	v4 =	vadd.s32 v1, v4;
	_ =	sdelay $0x1  }
0x15e: {  	v3 =	vadd.s32 v1, v3;
	_ =	sdelay $0x1  }
0x15f: {  	s13 =	simm.s32 $0xE100  }
0x160: {  	[tilespmem:s13], [sflag:$0x1] =	stream.indirect_vreg.gather [hbm4b:s3+s2], $0x80, v4, vm0, $0xb8;
	[tilespmem:$0x10100] =	vst v63  }
0x161: {  	s13 =	simm.s32 $0xE900  }
0x162: {  	[tilespmem:s13], [sflag:$0x1] =	stream.indirect_vreg.gather [hbm4b:s3+s2], $0x80, v3, vm0, $0xb8;
	[tilespmem:$0x10100] =	vst v63  }
0x163: {  	v3 =	vld [tilespmem:$0xF0];
	_ =	sdelay $0x4  }
0x164: {  	v63 =	vshll.u32 v3, $0x1  }
0x165: {  	v3 =	vand.u32 $0x7, v3;
	v4 =	vand.u32 $0xFFFFFFF0, v63  }
0x166: {  	v3 =	vor.u32 v3, v4  }
0x167: {  	v4 =	vperm.xlane v3, v0;
	_ =	sdelay $0x1  }
0x168: {  	v3 =	vperm.xlane v3, v2;
	v4 =	vadd.s32 v1, v4;
	_ =	sdelay $0x1  }
0x169: {  	v3 =	vadd.s32 v1, v3;
	_ =	sdelay $0x1  }
0x16a: {  	s13 =	simm.s32 $0xF100  }
0x16b: {  	[tilespmem:s13], [sflag:$0x1] =	stream.indirect_vreg.gather [hbm4b:s3+s2], $0x80, v4, vm0, $0xb8;
	[tilespmem:$0x10100] =	vst v63  }
0x16c: {  	s13 =	simm.s32 $0xF900  }
0x16d: {  	[tilespmem:s13], [sflag:$0x1] =	stream.indirect_vreg.gather [hbm4b:s3+s2], $0x80, v3, vm0, $0xb8;
	[tilespmem:$0x10100] =	vst v63  }
0x16e: {  	_ =	swait.ge [sflag:s12], $0x10000  }
0x16f: {  	p0 =	sne.s32 s4, $0x1;
	s0 =	simm.s32 $0x100;
	[sflag:s12] =	ssyncset.done $0x0  }
.Ltmp0:
0x170: {  	s13 =	rddreg [dreg:$0x6];
	[sflag:s12] =	ssyncadd.s32 $0xFFFF0000;
	(pc) =	sbr.rel @p0 .LBB2_1-.Ltmp0, $4  }
0x171: {  	[hbm4b:s13+s2] =	stream.linear.scatter [tilespmem:s0], [sflag:$0x2], $0x10000, $0x38;
	[tilespmem:$0x10100] =	vst v63  }
0x172: {  	_ =	swait.ge [sflag:s5], $0x10000  }
0x173: {  	[sflag:s5] =	ssyncset.done $0x0  }
0x174: {  	s4 =	sadd.s32 $0xFFFFFFFF, s4;
	[sflag:s5] =	ssyncadd.s32 $0xFFFF0000  }
0x175: {  	_ =	sfence.sel $0x180000  }
0x176: {  	[bflag:$0x0] =	sbarrier.arrive $0xFFFF  }
0x177: {  	_ =	strace $0x9000004A  }
0x178: {  	s0 =	stileid.u32;
	[bflag:$0x2] =	sbarrier.arrive $0xFFFF  }
0x179: {  	p0 =	sne.s32 s0, $0x0;
	s0 =	rddreg [dreg:$0x2]  }
0x17a: {  	s0 =	sadd.s32 @!p0 $0x100000, s0  }
0x17b: {  	[sflag:s0] =	ssyncadd.tile.s32 @!p0 $0x1;
	_ =	shalt  }
.Lfunc_end2:
_tile_overlayer_lowered:
.L_overlay_start_2:
0x17c: {  	(tag) =	ssettag $0x2  }
0x17d: {  	s0 =	rddreg [dreg:$0x0];
	s2 =	stileid.u32  }
0x17e: {  	s1 =	rddreg [dreg:$0x1];
	p0 =	sne.s32 s2, $0x0  }
0x17f: {  	s3 =	rddreg [dreg:$0x2];
	[bflag:$0x3] =	sbarrier.arrive $0xFFFF;
	s2 =	simm.s32 @!p0 $0x1C02  }
0x180: {  	[timem:s3], [sflag:s2] =	dma.local @!p0 [hbm:s0], s1  }
0x181: {  	s0 =	simm.s32 @!p0 $0x2  }
0x182: {  	_ =	swait.ge @!p0 [sflag:s0], s1  }
0x183: {  	s1 =	ssub.s32 @!p0 $0x0, s1;
	[sflag:s0] =	ssyncset.done @!p0 $0x0  }
0x184: {  	[sflag:s0] =	ssyncadd.s32 @!p0 s1  }
0x185: {  	[bflag:$0x3] =	sbarrier.arrive $0xFFFF  }
0x186: {  	_ =	shalt  }

// kernel: kernel.15.cloned.1.call-start
scs
__scs_entry_jumppad:
0x0: {  	(pc) =	sbr.rel $0x88, $3  }
0x1: {  	(tag) =	ssettag $0x0;
	lr =	simm.s32 $0x1  }
0x2: {  	[smem:$0x3F95] =	sst lr;
	_ =	strace $0xD0000000  }
0x3: {  	_ = 	snop  }
0x4: {  	_ = 	snop  }
0x5: {  	_ = 	snop  }
0x6: {  	_ = 	snop  }
0x7: {  	_ = 	snop  }
__scs_overlays_trampoline_lowered:
0x8: {  	[smem:$0x3FA4] =	sst s0  }
0x9: {  	[smem:$0x3FA5] =	sst s1  }
0xa: {  	[smem:$0x3FA6] =	sst s2  }
0xb: {  	[smem:$0x3FA7] =	sst s3  }
0xc: {  	[smem:$0x3FA8] =	sst s4  }
0xd: {  	[smem:$0x3FA9] =	sst s5  }
0xe: {  	[smem:$0x3FAA] =	sst s6  }
0xf: {  	[smem:$0x3FAB] =	sst s7  }
0x10: {  	[smem:$0x3FAC] =	sst s8  }
0x11: {  	[smem:$0x3FAD] =	sst s9;
	s0 =	simm.s32 @!p0 $0x0  }
0x12: {  	s1 =	sld [smem:$0x3F93];
	s0 =	simm.s32 @p0 $0x1  }
0x13: {  	[smem:$0x3FAE] =	sst s0;
	s0 =	simm.s32 @!p1 $0x0  }
0x14: {  	s2 =	sld [smem:$0x3F92];
	s0 =	simm.s32 @p1 $0x1  }
0x15: {  	[smem:$0x3FAF] =	sst s0;
	s0 =	simm.s32 @!p2 $0x0  }
0x16: {  	s3 =	sld [smem:$0x3FDB];
	s0 =	simm.s32 @p2 $0x1  }
0x17: {  	s4 =	simm.s32 $0x1BF5;
	[smem:$0x3FB1] =	sst s0  }
0x18: {  	s0 =	sld [smem:$0x3F94];
	_ =	swait.ge [sflag:s4], $0x0  }
0x19: {  	s7 =	sld [smem:$0x3F95]  }
0x1a: {  	s8 =	sadd.s32 $0xFFFFE003, lr  }
0x1b: {  	s9 =	sadd.s32 $0xFFFFFEF7, lr;
	s5 =	simm.s32 $0xFFFFFFFF;
	p2 =	slt.u32 s8, $0xFFFFF086  }
0x1c: {  	p1 =	slt.u32 s9, $0xF7A;
	s5 =	simm.s32 @!p2 $0x0  }
0x1d: {  	s5 =	simm.s32 @p1 $0x1;
	p0 =	seq.s32 s7, s2  }
0x1e: {  	s7 =	smul.u32 @!p0 $0xF7A, s2;
	p2 =	seq.s32 @!p0 s5, $0x0  }
0x1f: {  	s9 =	smul.u32 $0xF7A, s1;
	s8 =	simm.s32 @!p0 $0x1BF5;
	p2 =	por !p2, p0  }
0x20: {  	[sflag:s8] =	ssyncset.s32 @!p0 $0xFFFFF086;
	s6 =	sadd.s32 @!p0 s3, s7;
	s7 =	simm.s32 @!p0 $0x108  }
0x21: {  	s3 =	sadd.s32 s3, s9;
	s6 =	sadd.s32 @!p0 $0x88, s6;
	s7 =	simm.s32 @p2 $0x1082  }
0x22: {  	[simem:s7], [sflag:s8] =	dma.local @!p0 [hbm:s6], $0xF7A  }
0x23: {  	s9 =	sor.u32 $0xD0000000, s2;
	s6 =	simm.s32 $0x108;
	_ =	swait.ge @!p0 [sflag:s8], $0x0  }
0x24: {  	s3 =	sadd.s32 $0x88, s3;
	s6 =	simm.s32 @!p1 $0x1082;
	[sflag:s4] =	ssyncset.s32 $0xFFFFF086  }
0x25: {  	[simem:s6], [sflag:s4] =	dma.local [hbm:s3], $0xF7A  }
0x26: {  	[smem:$0x3F95] =	sst s1;
	(tag) =	ssettag s2;
	_ =	strace s9  }
0x27: {  	s1 =	sld [smem:$0x3FA5]  }
0x28: {  	s2 =	sld [smem:$0x3FA6]  }
0x29: {  	s4 =	sld [smem:$0x3FA8]  }
0x2a: {  	p0 =	seq.s32 s5, $0x0;
	s5 =	sld [smem:$0x3FA9]  }
0x2b: {  	s6 =	sld [smem:$0x3FAA]  }
0x2c: {  	s7 =	sld [smem:$0x3FAB]  }
0x2d: {  	s3 =	simm.s32 $0x108;
	s8 =	sld [smem:$0x3FAC]  }
0x2e: {  	s3 =	simm.s32 @!p0 $0x1082;
	s9 =	sld [smem:$0x3FAD]  }
0x2f: {  	lr =	sadd.s32 s0, s3;
	s0 =	sld [smem:$0x3FA4]  }
0x30: {  	s3 =	sld [smem:$0x3FA7]  }
0x31: {  	[smem:$0x3FB0] =	sst s10  }
0x32: {  	s10 =	sld [smem:$0x3FAE];
	_ =	sdelay $0x3  }
0x33: {  	p0 =	seq.s32 s10, $0x1;
	s10 =	sld [smem:$0x3FB0];
	_ =	sdelay $0x3  }
0x34: {  	[smem:$0x3FB0] =	sst s10  }
0x35: {  	s10 =	sld [smem:$0x3FAF];
	_ =	sdelay $0x3  }
0x36: {  	p1 =	seq.s32 s10, $0x1;
	s10 =	sld [smem:$0x3FB0];
	_ =	sdelay $0x3  }
0x37: {  	[smem:$0x3FB0] =	sst s10  }
0x38: {  	s10 =	sld [smem:$0x3FB1]  }
0x39: {  	_ = 	snop;
	(pc) =	sbr.ind lr, $3  }
0x3a: {  	_ = 	snop  }
0x3b: {  	_ = 	snop  }
0x3c: {  	p2 =	seq.s32 s10, $0x1;
	s10 =	sld [smem:$0x3FB0]  }
0x3d: {  	_ =	shalt  }
0x3e: {  	_ =	shalt  }
0x3f: {  	_ =	shalt  }
0x40: {  	_ =	shalt  }
0x41: {  	_ =	shalt  }
0x42: {  	_ =	shalt  }
0x43: {  	_ =	shalt  }
0x44: {  	_ =	shalt  }
0x45: {  	_ =	shalt  }
0x46: {  	_ =	shalt  }
0x47: {  	_ =	shalt  }
0x48: {  	_ =	shalt  }
0x49: {  	_ =	shalt  }
0x4a: {  	_ =	shalt  }
0x4b: {  	_ =	shalt  }
0x4c: {  	_ =	shalt  }
0x4d: {  	_ =	shalt  }
0x4e: {  	_ =	shalt  }
0x4f: {  	_ =	shalt  }
0x50: {  	_ =	shalt  }
0x51: {  	_ =	shalt  }
0x52: {  	_ =	shalt  }
0x53: {  	_ =	shalt  }
0x54: {  	_ =	shalt  }
0x55: {  	_ =	shalt  }
0x56: {  	_ =	shalt  }
0x57: {  	_ =	shalt  }
0x58: {  	_ =	shalt  }
0x59: {  	_ =	shalt  }
0x5a: {  	_ =	shalt  }
0x5b: {  	_ =	shalt  }
0x5c: {  	_ =	shalt  }
0x5d: {  	_ =	shalt  }
0x5e: {  	_ =	shalt  }
0x5f: {  	_ =	shalt  }
0x60: {  	_ =	shalt  }
0x61: {  	_ =	shalt  }
0x62: {  	_ =	shalt  }
0x63: {  	_ =	shalt  }
0x64: {  	_ =	shalt  }
0x65: {  	_ =	shalt  }
0x66: {  	_ =	shalt  }
0x67: {  	_ =	shalt  }
0x68: {  	_ =	shalt  }
0x69: {  	_ =	shalt  }
0x6a: {  	_ =	shalt  }
0x6b: {  	_ =	shalt  }
0x6c: {  	_ =	shalt  }
0x6d: {  	_ =	shalt  }
0x6e: {  	_ =	shalt  }
0x6f: {  	_ =	shalt  }
0x70: {  	_ =	shalt  }
0x71: {  	_ =	shalt  }
0x72: {  	_ =	shalt  }
0x73: {  	_ =	shalt  }
0x74: {  	_ =	shalt  }
0x75: {  	_ =	shalt  }
0x76: {  	_ =	shalt  }
0x77: {  	_ =	shalt  }
0x78: {  	_ =	shalt  }
0x79: {  	_ =	shalt  }
0x7a: {  	_ =	shalt  }
0x7b: {  	_ =	shalt  }
0x7c: {  	_ =	shalt  }
0x7d: {  	_ =	shalt  }
0x7e: {  	_ =	shalt  }
0x7f: {  	_ =	shalt  }
0x80: {  	_ =	shalt  }
0x81: {  	_ =	shalt  }
0x82: {  	_ =	shalt  }
0x83: {  	_ =	shalt  }
0x84: {  	_ =	shalt  }
0x85: {  	_ =	shalt  }
0x86: {  	_ =	shalt  }
0x87: {  	_ =	shalt  }
.Lfunc_end0:
.L_simem_size_0:
called_computation.2_lowered:
.L_overlay_start_0:
0x88: {  	s2 =	sld [smem:$0x3FD9]  }
0x89: {  	s3 =	sld [smem:$0x3FFE];
	_ =	sdelay $0x1  }
0x8a: {  	s1 =	srdreg.scid  }
0x8b: {  	s0 =	sand.u32 $0x1, s1  }
0x8c: {  	s14 =	sshll.u32 s0, $0xA;
	s2 =	sadd.s32 s3, s2  }
0x8d: {  	s2 =	sadd.s32 s2, s14  }
0x8e: {  	[smem:$0x3FBC] =	sst s2  }
0x8f: {  	_ = 	snop  }
0x90: {  	s2 =	sld [smem:$0x3FD0];
	_ =	sdelay $0x2  }
0x91: {  	s15 =	simm.s32 $0xA;
	s4 =	simm.s32 $0x10  }
0x92: {  	[smem:s4], [sflag:s15] =	dma.local [hbm:s2], $0x1  }
0x93: {  	_ =	swait.eq [sflag:s15], $0x1  }
0x94: {  	[sflag:s15] =	ssyncset.done $0x0  }
0x95: {  	[sflag:s15] =	ssyncadd.s32 $0xFFFFFFFF  }
0x96: {  	s16 =	sld [smem:$0x11];
	(tm) =	ssettm $0x1  }
0x97: {  	s17 =	sld [smem:$0x3FFB];
	_ =	sdelay $0x3  }
0x98: {  	_ =	strace s17  }
0x99: {  	s3 =	sld [smem:$0x3FFC];
	_ =	sdelay $0x3  }
0x9a: {  	_ =	strace s3  }
0x9b: {  	s3 =	sld [smem:$0x3FFD];
	_ =	sdelay $0x3  }
0x9c: {  	_ =	strace s3  }
0x9d: {  	_ =	strace $0x8FFFFFFF  }
0x9e: {  	s18 =	sld [smem:$0x3FDB];
	_ =	sdelay $0x1  }
0x9f: {  	s19 =	simm.s32 $_scs_section_size  }
0xa0: {  	s5 =	simm.s32 $_size__tile_overlayer_lowered;
	s6 =	simm.s32 $_tile_overlayer_lowered  }
0xa1: {  	s22 =	simm.s32 $0x1BFF;
	s21 =	sshll.u32 s6, $0x1;
	s3 =	sadd.s32 s19, s18  }
0xa2: {  	s7 =	simm.s32 $0x0;
	s20 =	sshll.u32 s5, $0x1;
	s5 =	sadd.s32 s21, s3  }
0xa3: {  	[timem:s7], [sflag:s22] =	dma.local [hbm:s5], s20  }
0xa4: {  	_ =	swait.ge [sflag:s22], s20  }
0xa5: {  	s4 =	ssub.s32 $0x0, s20;
	[sflag:s22] =	ssyncset.done $0x0  }
0xa6: {  	[sflag:s22] =	ssyncadd.s32 s4;
	_ =	sdelay $0x1  }
0xa7: {  	s23 =	simm.s32 $0x1B8B  }
0xa8: {  	_ =	swait.ge [sflag:s23], $0x1  }
0xa9: {  	[sflag:s23] =	ssyncset.done $0x0  }
0xaa: {  	s25 =	simm.s32 $0x1B8E;
	s24 =	sld [smem:$0x3FFE];
	[sflag:s23] =	ssyncadd.s32 $0xFFFFFFFF  }
0xab: {  	s26 =	simm.s32 $execute0_lowered;
	[smem:$0x3FD2] =	sst s25  }
0xac: {  	s5 =	sshll.u32 s26, $0x1;
	_ =	strace $0x8000004C;
	[dreg:$0x1] =	wrdreg $0xFFFFFFFF  }
0xad: {  	s28 =	simm.s32 $_size_execute0_lowered;
	s3 =	sadd.s32 s3, s5;
	[dreg:$0x0] =	wrdreg $0x0  }
0xae: {  	s5 =	sshll.u32 s28, $0x1;
	[dreg:$0x2] =	wrdreg s3  }
0xaf: {  	[dreg:$0x3] =	wrdreg s5  }
0xb0: {  	[dreg:$0x4] =	wrdreg $0xC0  }
0xb1: {  	_ =	task [dreg:s7], $0x5FFFF  }
0xb2: {  	[dreg:$0x1] =	wrdreg $0xFFFFFFFF  }
0xb3: {  	[dreg:$0x0] =	wrdreg $0x60  }
0xb4: {  	[dreg:$0x2] =	wrdreg s24  }
0xb5: {  	[dreg:$0x3] =	wrdreg s16  }
0xb6: {  	[dreg:$0x4] =	wrdreg $0x9  }
0xb7: {  	_ =	task.clear_ibuf [dreg:s7], $0x5FFFF;
	_ =	strace $0x9000004C  }
0xb8: {  	s29 =	simm.s32 $0x9;
	_ =	strace $0x8000004E  }
0xb9: {  	_ =	swait.ge [sflag:s29], $0x1  }
0xba: {  	[sflag:s29] =	ssyncadd.s32 $0xFFFFFFFF  }
0xbb: {  	_ =	strace $0x9000004E  }
0xbc: {  	_ =	sfence  }
0xbd: {  	s30 =	sld [smem:$0x0];
	_ =	sdelay $0x2  }
0xbe: {  	s31 =	sshll.u32 s1, $0xD;
	s1 =	sshrl.u32 s1, $0x2  }
0xbf: {  	s3 =	sand.u32 $0x4000, s31;
	s1 =	sadd.s32 s1, s30  }
0xc0: {  	s0 =	sor.u32 s3, s0;
	s1 =	sshll.u32 s1, $0x11  }
0xc1: {  	s0 =	sor.u32 s1, s0  }
0xc2: {  	s0 =	sadd.s32 $0x8F2B, s0  }
0xc3: {  	[sflag:s0] =	ssyncadd.remote.s32 $0x1  }
0xc4: {  	_ =	sfence.sel $0xFFFF  }
0xc5: {  	[dreg:$0x0] =	wrdreg $0xFFFFFFFF;
	(pc) =	sbr.abs _section_cstart, $3  }
0xc6: {  	[dreg:$0x1] =	wrdreg $0xFFFFFFFF  }
0xc7: {  	_ =	task.clear_ibuf [dreg:s7], $0x2FFFF;
	_ =	strace $0x9FFFFFFF  }
0xc8: {  	(tm) =	ssettm $0x7FFFFFFF  }
0xc9: {  	_ =	shalt  }
tec
execute0_lowered:
.L_overlay_start_1:
0x0: {  	(tag) =	ssettag $0x1  }
0x1: {  	s0 =	rddreg [dreg:$0x0]  }
0x2: {  	s1 =	rddreg [dreg:$0x1]  }
0x3: {  	s2 =	simm.s32 $0x0;
	s3 =	srdreg.scid;
	s5 =	stileid.u32  }
0x4: {  	s12 =	simm.s32 $0x1;
	s14 =	simm.s32 $0x900;
	s15 =	simm.s32 $0x1100  }
0x5: {  	s16 =	simm.s32 $0x1900;
	s17 =	simm.s32 $0x2100;
	s18 =	simm.s32 $0x2900  }
0x6: {  	s19 =	simm.s32 $0x3100;
	s20 =	simm.s32 $0x3900;
	s21 =	simm.s32 $0x4100  }
0x7: {  	s22 =	simm.s32 $0x4900;
	s23 =	simm.s32 $0x5100;
	s28 =	simm.s32 $0x7100  }
0x8: {  	s29 =	simm.s32 $0x7900;
	s30 =	simm.s32 $0x8100;
	s31 =	simm.s32 $0x8900  }
0x9: {  	s9 =	simm.s32 $0xB100;
	s10 =	simm.s32 $0xB900;
	s11 =	simm.s32 $0xC100  }
0xa: {  	[smem:$0x7FF] =	sst s2;
	s4 =	sand.u32 $0x1, s3;
	s5 =	sshll.u32 s5, $0xA  }
0xb: {  	s3 =	sadd.s32 $0x9E00, s0;
	s0 =	sadd.s32 $0x91E00, s0;
	s6 =	sshll.u32 s4, $0x9  }
0xc: {  	_ =	strace $0x8000004D;
	s4 =	ssub.s32 $0x2, s4;
	s5 =	sor.u32 s6, s5  }
0xd: {  	s24 =	sshrl.u32 s4, $0x1;
	s6 =	simm.s32 $0xC900;
	s7 =	sshrl.u32 s5, $0x3  }
0xe: {  	s8 =	sshll.u32 s5, $0x5;
	s5 =	sor.u32 $0x100, s5;
	s4 =	ssub.s32 s4, s24  }
0xf: {  	s24 =	simm.s32 $0x5900;
	s7 =	sadd.s32 s1, s7;
	s25 =	sadd.s32 s0, s8  }
0x10: {  	s26 =	sshrl.u32 s5, $0x3;
	s5 =	sshll.u32 s5, $0x5;
	[dreg:$0x3] =	wrdreg s7  }
0x11: {  	s4 =	smax.u32 s4, $0x1;
	s8 =	simm.s32 $0xA900;
	[dreg:$0x4] =	wrdreg s25  }
0x12: {  	v2 =	vlaneseq.u32;
	s1 =	sadd.s32 s1, s26;
	s0 =	sadd.s32 s0, s5;
	s5 =	simm.s32 $0x2  }
0x13: {  	vm0 =	vmmov $0xffff;
	v1 =	vshrl.u32 v2, $0x3;
	s25 =	simm.s32 $0x6100;
	s26 =	simm.s32 $0x6900;
	[dreg:$0x5] =	wrdreg s1  }
0x14: {  	v0 =	vand.u32 $0x7, v2;
	v2 =	vor.u32 $0x8, v2;
	v1 =	vmul.u32 $0x8, v1;
	s7 =	simm.s32 $0xA100;
	[dreg:$0x6] =	wrdreg s0;
	s1 =	simm.s32 $0x9900  }
.LBB2_1:
0x15: {  	s13 =	rddreg [dreg:$0x3]  }
0x16: {  	[tilespmem:s2], [sflag:$0x2] =	stream.linear.gather [hbm4b:s13+s2], $0x100, $0x38;
	[tilespmem:$0x10100] =	vst v63  }
0x17: {  	_ =	swait.ge [sflag:s5], $0x100  }
0x18: {  	[sflag:s5] =	ssyncset.done $0x0  }
0x19: {  	[sflag:s5] =	ssyncadd.s32 $0xFFFFFF00  }
0x1a: {  	v3 =	vld [tilespmem:$0x0];
	_ =	sdelay $0x4  }
0x1b: {  	v4 =	vshll.u32 v3, $0x1  }
0x1c: {  	v3 =	vand.u32 $0x7, v3;
	v4 =	vand.u32 $0xFFFFFFF0, v4  }
0x1d: {  	v3 =	vor.u32 v3, v4  }
0x1e: {  	v4 =	vperm.xlane v3, v0;
	_ =	sdelay $0x1  }
0x1f: {  	v3 =	vperm.xlane v3, v2;
	v4 =	vadd.s32 v1, v4;
	_ =	sdelay $0x1  }
0x20: {  	v3 =	vadd.s32 v1, v3;
	_ =	sdelay $0x1  }
0x21: {  	s0 =	simm.s32 $0x100  }
0x22: {  	[tilespmem:s0], [sflag:$0x1] =	stream.indirect_vreg.gather [hbm4b:s3+s2], $0x80, v4, vm0, $0xb8;
	[tilespmem:$0x10100] =	vst v63  }
0x23: {  	_ = 	snop  }
0x24: {  	[tilespmem:s14], [sflag:$0x1] =	stream.indirect_vreg.gather [hbm4b:s3+s2], $0x80, v3, vm0, $0xb8;
	[tilespmem:$0x10100] =	vst v63  }
0x25: {  	v3 =	vld [tilespmem:$0x10];
	_ =	sdelay $0x4  }
0x26: {  	v33 =	vshll.u32 v3, $0x1  }
0x27: {  	v3 =	vand.u32 $0x7, v3;
	v4 =	vand.u32 $0xFFFFFFF0, v33  }
0x28: {  	v3 =	vor.u32 v3, v4  }
0x29: {  	v4 =	vperm.xlane v3, v0;
	_ =	sdelay $0x1  }
0x2a: {  	v3 =	vperm.xlane v3, v2;
	v4 =	vadd.s32 v1, v4;
	_ =	sdelay $0x1  }
0x2b: {  	v3 =	vadd.s32 v1, v3;
	_ =	sdelay $0x2  }
0x2c: {  	[tilespmem:s15], [sflag:$0x1] =	stream.indirect_vreg.gather [hbm4b:s3+s2], $0x80, v4, vm0, $0xb8;
	[tilespmem:$0x10100] =	vst v63  }
0x2d: {  	_ = 	snop  }
0x2e: {  	[tilespmem:s16], [sflag:$0x1] =	stream.indirect_vreg.gather [hbm4b:s3+s2], $0x80, v3, vm0, $0xb8;
	[tilespmem:$0x10100] =	vst v63  }
0x2f: {  	v3 =	vld [tilespmem:$0x20];
	_ =	sdelay $0x4  }
0x30: {  	v34 =	vshll.u32 v3, $0x1  }
0x31: {  	v3 =	vand.u32 $0x7, v3;
	v4 =	vand.u32 $0xFFFFFFF0, v34  }
0x32: {  	v3 =	vor.u32 v3, v4  }
0x33: {  	v4 =	vperm.xlane v3, v0;
	_ =	sdelay $0x1  }
0x34: {  	v3 =	vperm.xlane v3, v2;
	v4 =	vadd.s32 v1, v4;
	_ =	sdelay $0x1  }
0x35: {  	v3 =	vadd.s32 v1, v3;
	_ =	sdelay $0x2  }
0x36: {  	[tilespmem:s17], [sflag:$0x1] =	stream.indirect_vreg.gather [hbm4b:s3+s2], $0x80, v4, vm0, $0xb8;
	[tilespmem:$0x10100] =	vst v63  }
0x37: {  	_ = 	snop  }
0x38: {  	[tilespmem:s18], [sflag:$0x1] =	stream.indirect_vreg.gather [hbm4b:s3+s2], $0x80, v3, vm0, $0xb8;
	[tilespmem:$0x10100] =	vst v63  }
0x39: {  	v3 =	vld [tilespmem:$0x30];
	_ =	sdelay $0x4  }
0x3a: {  	v35 =	vshll.u32 v3, $0x1  }
0x3b: {  	v3 =	vand.u32 $0x7, v3;
	v4 =	vand.u32 $0xFFFFFFF0, v35  }
0x3c: {  	v3 =	vor.u32 v3, v4  }
0x3d: {  	v4 =	vperm.xlane v3, v0;
	_ =	sdelay $0x1  }
0x3e: {  	v3 =	vperm.xlane v3, v2;
	v4 =	vadd.s32 v1, v4;
	_ =	sdelay $0x1  }
0x3f: {  	v3 =	vadd.s32 v1, v3;
	_ =	sdelay $0x2  }
0x40: {  	[tilespmem:s19], [sflag:$0x1] =	stream.indirect_vreg.gather [hbm4b:s3+s2], $0x80, v4, vm0, $0xb8;
	[tilespmem:$0x10100] =	vst v63  }
0x41: {  	_ = 	snop  }
0x42: {  	[tilespmem:s20], [sflag:$0x1] =	stream.indirect_vreg.gather [hbm4b:s3+s2], $0x80, v3, vm0, $0xb8;
	[tilespmem:$0x10100] =	vst v63  }
0x43: {  	v3 =	vld [tilespmem:$0x40];
	_ =	sdelay $0x4  }
0x44: {  	v36 =	vshll.u32 v3, $0x1  }
0x45: {  	v3 =	vand.u32 $0x7, v3;
	v4 =	vand.u32 $0xFFFFFFF0, v36  }
0x46: {  	v3 =	vor.u32 v3, v4  }
0x47: {  	v4 =	vperm.xlane v3, v0;
	_ =	sdelay $0x1  }
0x48: {  	v3 =	vperm.xlane v3, v2;
	v4 =	vadd.s32 v1, v4;
	_ =	sdelay $0x1  }
0x49: {  	v3 =	vadd.s32 v1, v3;
	_ =	sdelay $0x2  }
0x4a: {  	[tilespmem:s21], [sflag:$0x1] =	stream.indirect_vreg.gather [hbm4b:s3+s2], $0x80, v4, vm0, $0xb8;
	[tilespmem:$0x10100] =	vst v63  }
0x4b: {  	_ = 	snop  }
0x4c: {  	[tilespmem:s22], [sflag:$0x1] =	stream.indirect_vreg.gather [hbm4b:s3+s2], $0x80, v3, vm0, $0xb8;
	[tilespmem:$0x10100] =	vst v63  }
0x4d: {  	v3 =	vld [tilespmem:$0x50];
	_ =	sdelay $0x4  }
0x4e: {  	v37 =	vshll.u32 v3, $0x1  }
0x4f: {  	v3 =	vand.u32 $0x7, v3;
	v4 =	vand.u32 $0xFFFFFFF0, v37  }
0x50: {  	v3 =	vor.u32 v3, v4  }
0x51: {  	v4 =	vperm.xlane v3, v0;
	_ =	sdelay $0x1  }
0x52: {  	v3 =	vperm.xlane v3, v2;
	v4 =	vadd.s32 v1, v4;
	_ =	sdelay $0x1  }
0x53: {  	v3 =	vadd.s32 v1, v3;
	_ =	sdelay $0x2  }
0x54: {  	[tilespmem:s23], [sflag:$0x1] =	stream.indirect_vreg.gather [hbm4b:s3+s2], $0x80, v4, vm0, $0xb8;
	[tilespmem:$0x10100] =	vst v63  }
0x55: {  	_ = 	snop  }
0x56: {  	[tilespmem:s24], [sflag:$0x1] =	stream.indirect_vreg.gather [hbm4b:s3+s2], $0x80, v3, vm0, $0xb8;
	[tilespmem:$0x10100] =	vst v63  }
0x57: {  	v3 =	vld [tilespmem:$0x60];
	_ =	sdelay $0x4  }
0x58: {  	v38 =	vshll.u32 v3, $0x1  }
0x59: {  	v3 =	vand.u32 $0x7, v3;
	v4 =	vand.u32 $0xFFFFFFF0, v38  }
0x5a: {  	v3 =	vor.u32 v3, v4  }
0x5b: {  	v4 =	vperm.xlane v3, v0;
	_ =	sdelay $0x1  }
0x5c: {  	v3 =	vperm.xlane v3, v2;
	v4 =	vadd.s32 v1, v4;
	_ =	sdelay $0x1  }
0x5d: {  	v3 =	vadd.s32 v1, v3;
	_ =	sdelay $0x2  }
0x5e: {  	[tilespmem:s25], [sflag:$0x1] =	stream.indirect_vreg.gather [hbm4b:s3+s2], $0x80, v4, vm0, $0xb8;
	[tilespmem:$0x10100] =	vst v63  }
0x5f: {  	_ = 	snop  }
0x60: {  	[tilespmem:s26], [sflag:$0x1] =	stream.indirect_vreg.gather [hbm4b:s3+s2], $0x80, v3, vm0, $0xb8;
	[tilespmem:$0x10100] =	vst v63  }
0x61: {  	v3 =	vld [tilespmem:$0x70];
	_ =	sdelay $0x4  }
0x62: {  	v39 =	vshll.u32 v3, $0x1  }
0x63: {  	v3 =	vand.u32 $0x7, v3;
	v4 =	vand.u32 $0xFFFFFFF0, v39  }
0x64: {  	v3 =	vor.u32 v3, v4  }
0x65: {  	v4 =	vperm.xlane v3, v0;
	_ =	sdelay $0x1  }
0x66: {  	v3 =	vperm.xlane v3, v2;
	v4 =	vadd.s32 v1, v4;
	_ =	sdelay $0x1  }
0x67: {  	v3 =	vadd.s32 v1, v3;
	_ =	sdelay $0x2  }
0x68: {  	[tilespmem:s28], [sflag:$0x1] =	stream.indirect_vreg.gather [hbm4b:s3+s2], $0x80, v4, vm0, $0xb8;
	[tilespmem:$0x10100] =	vst v63  }
0x69: {  	_ = 	snop  }
0x6a: {  	[tilespmem:s29], [sflag:$0x1] =	stream.indirect_vreg.gather [hbm4b:s3+s2], $0x80, v3, vm0, $0xb8;
	[tilespmem:$0x10100] =	vst v63  }
0x6b: {  	v3 =	vld [tilespmem:$0x80];
	_ =	sdelay $0x4  }
0x6c: {  	v40 =	vshll.u32 v3, $0x1  }
0x6d: {  	v3 =	vand.u32 $0x7, v3;
	v4 =	vand.u32 $0xFFFFFFF0, v40  }
0x6e: {  	v3 =	vor.u32 v3, v4  }
0x6f: {  	v4 =	vperm.xlane v3, v0;
	_ =	sdelay $0x1  }
0x70: {  	v3 =	vperm.xlane v3, v2;
	v4 =	vadd.s32 v1, v4;
	_ =	sdelay $0x1  }
0x71: {  	v3 =	vadd.s32 v1, v3;
	_ =	sdelay $0x2  }
0x72: {  	[tilespmem:s30], [sflag:$0x1] =	stream.indirect_vreg.gather [hbm4b:s3+s2], $0x80, v4, vm0, $0xb8;
	[tilespmem:$0x10100] =	vst v63  }
0x73: {  	_ = 	snop  }
0x74: {  	[tilespmem:s31], [sflag:$0x1] =	stream.indirect_vreg.gather [hbm4b:s3+s2], $0x80, v3, vm0, $0xb8;
	[tilespmem:$0x10100] =	vst v63  }
0x75: {  	v3 =	vld [tilespmem:$0x90];
	_ =	sdelay $0x4  }
0x76: {  	v41 =	vshll.u32 v3, $0x1  }
0x77: {  	v3 =	vand.u32 $0x7, v3;
	v4 =	vand.u32 $0xFFFFFFF0, v41  }
0x78: {  	v3 =	vor.u32 v3, v4  }
0x79: {  	v4 =	vperm.xlane v3, v0;
	_ =	sdelay $0x1  }
0x7a: {  	v3 =	vperm.xlane v3, v2;
	v4 =	vadd.s32 v1, v4;
	_ =	sdelay $0x1  }
0x7b: {  	v3 =	vadd.s32 v1, v3;
	_ =	sdelay $0x1  }
0x7c: {  	s13 =	simm.s32 $0x9100  }
0x7d: {  	[tilespmem:s13], [sflag:$0x1] =	stream.indirect_vreg.gather [hbm4b:s3+s2], $0x80, v4, vm0, $0xb8;
	[tilespmem:$0x10100] =	vst v63  }
0x7e: {  	_ = 	snop  }
0x7f: {  	[tilespmem:s1], [sflag:$0x1] =	stream.indirect_vreg.gather [hbm4b:s3+s2], $0x80, v3, vm0, $0xb8;
	[tilespmem:$0x10100] =	vst v63  }
0x80: {  	v3 =	vld [tilespmem:$0xA0];
	_ =	sdelay $0x4  }
0x81: {  	v42 =	vshll.u32 v3, $0x1  }
0x82: {  	v3 =	vand.u32 $0x7, v3;
	v4 =	vand.u32 $0xFFFFFFF0, v42  }
0x83: {  	v3 =	vor.u32 v3, v4  }
0x84: {  	v4 =	vperm.xlane v3, v0;
	_ =	sdelay $0x1  }
0x85: {  	v3 =	vperm.xlane v3, v2;
	v4 =	vadd.s32 v1, v4;
	_ =	sdelay $0x1  }
0x86: {  	v3 =	vadd.s32 v1, v3;
	_ =	sdelay $0x2  }
0x87: {  	[tilespmem:s7], [sflag:$0x1] =	stream.indirect_vreg.gather [hbm4b:s3+s2], $0x80, v4, vm0, $0xb8;
	[tilespmem:$0x10100] =	vst v63  }
0x88: {  	_ = 	snop  }
0x89: {  	[tilespmem:s8], [sflag:$0x1] =	stream.indirect_vreg.gather [hbm4b:s3+s2], $0x80, v3, vm0, $0xb8;
	[tilespmem:$0x10100] =	vst v63  }
0x8a: {  	v3 =	vld [tilespmem:$0xB0];
	_ =	sdelay $0x4  }
0x8b: {  	v43 =	vshll.u32 v3, $0x1  }
0x8c: {  	v3 =	vand.u32 $0x7, v3;
	v4 =	vand.u32 $0xFFFFFFF0, v43  }
0x8d: {  	v3 =	vor.u32 v3, v4  }
0x8e: {  	v4 =	vperm.xlane v3, v0;
	_ =	sdelay $0x1  }
0x8f: {  	v3 =	vperm.xlane v3, v2;
	v4 =	vadd.s32 v1, v4;
	_ =	sdelay $0x1  }
0x90: {  	v3 =	vadd.s32 v1, v3;
	_ =	sdelay $0x2  }
0x91: {  	[tilespmem:s9], [sflag:$0x1] =	stream.indirect_vreg.gather [hbm4b:s3+s2], $0x80, v4, vm0, $0xb8;
	[tilespmem:$0x10100] =	vst v63  }
0x92: {  	_ = 	snop  }
0x93: {  	[tilespmem:s10], [sflag:$0x1] =	stream.indirect_vreg.gather [hbm4b:s3+s2], $0x80, v3, vm0, $0xb8;
	[tilespmem:$0x10100] =	vst v63  }
0x94: {  	v3 =	vld [tilespmem:$0xC0];
	_ =	sdelay $0x4  }
0x95: {  	v44 =	vshll.u32 v3, $0x1  }
0x96: {  	v3 =	vand.u32 $0x7, v3;
	v4 =	vand.u32 $0xFFFFFFF0, v44  }
0x97: {  	v3 =	vor.u32 v3, v4  }
0x98: {  	v4 =	vperm.xlane v3, v0;
	_ =	sdelay $0x1  }
0x99: {  	v3 =	vperm.xlane v3, v2;
	v4 =	vadd.s32 v1, v4;
	_ =	sdelay $0x1  }
0x9a: {  	v3 =	vadd.s32 v1, v3;
	_ =	sdelay $0x2  }
0x9b: {  	[tilespmem:s11], [sflag:$0x1] =	stream.indirect_vreg.gather [hbm4b:s3+s2], $0x80, v4, vm0, $0xb8;
	[tilespmem:$0x10100] =	vst v63  }
0x9c: {  	_ = 	snop  }
0x9d: {  	[tilespmem:s6], [sflag:$0x1] =	stream.indirect_vreg.gather [hbm4b:s3+s2], $0x80, v3, vm0, $0xb8;
	[tilespmem:$0x10100] =	vst v63  }
0x9e: {  	v3 =	vld [tilespmem:$0xD0];
	_ =	sdelay $0x4  }
0x9f: {  	v45 =	vshll.u32 v3, $0x1  }
0xa0: {  	v3 =	vand.u32 $0x7, v3;
	v4 =	vand.u32 $0xFFFFFFF0, v45  }
0xa1: {  	v3 =	vor.u32 v3, v4  }
0xa2: {  	v4 =	vperm.xlane v3, v0;
	_ =	sdelay $0x1  }
0xa3: {  	v3 =	vperm.xlane v3, v2;
	v4 =	vadd.s32 v1, v4;
	_ =	sdelay $0x1  }
0xa4: {  	v3 =	vadd.s32 v1, v3;
	_ =	sdelay $0x1  }
0xa5: {  	s13 =	simm.s32 $0xD100  }
0xa6: {  	[tilespmem:s13], [sflag:$0x1] =	stream.indirect_vreg.gather [hbm4b:s3+s2], $0x80, v4, vm0, $0xb8;
	[tilespmem:$0x10100] =	vst v63  }
0xa7: {  	s13 =	simm.s32 $0xD900  }
0xa8: {  	[tilespmem:s13], [sflag:$0x1] =	stream.indirect_vreg.gather [hbm4b:s3+s2], $0x80, v3, vm0, $0xb8;
	[tilespmem:$0x10100] =	vst v63  }
0xa9: {  	v3 =	vld [tilespmem:$0xE0];
	_ =	sdelay $0x4  }
0xaa: {  	v46 =	vshll.u32 v3, $0x1  }
0xab: {  	v3 =	vand.u32 $0x7, v3;
	v4 =	vand.u32 $0xFFFFFFF0, v46  }
0xac: {  	v3 =	vor.u32 v3, v4  }
0xad: {  	v4 =	vperm.xlane v3, v0;
	_ =	sdelay $0x1  }
0xae: {  	v3 =	vperm.xlane v3, v2;
	v4 =	vadd.s32 v1, v4;
	_ =	sdelay $0x1  }
0xaf: {  	v3 =	vadd.s32 v1, v3;
	_ =	sdelay $0x1  }
0xb0: {  	s13 =	simm.s32 $0xE100  }
0xb1: {  	[tilespmem:s13], [sflag:$0x1] =	stream.indirect_vreg.gather [hbm4b:s3+s2], $0x80, v4, vm0, $0xb8;
	[tilespmem:$0x10100] =	vst v63  }
0xb2: {  	s13 =	simm.s32 $0xE900  }
0xb3: {  	[tilespmem:s13], [sflag:$0x1] =	stream.indirect_vreg.gather [hbm4b:s3+s2], $0x80, v3, vm0, $0xb8;
	[tilespmem:$0x10100] =	vst v63  }
0xb4: {  	v3 =	vld [tilespmem:$0xF0];
	_ =	sdelay $0x4  }
0xb5: {  	v47 =	vshll.u32 v3, $0x1  }
0xb6: {  	v3 =	vand.u32 $0x7, v3;
	v4 =	vand.u32 $0xFFFFFFF0, v47  }
0xb7: {  	v3 =	vor.u32 v3, v4  }
0xb8: {  	v4 =	vperm.xlane v3, v0;
	_ =	sdelay $0x1  }
0xb9: {  	v3 =	vperm.xlane v3, v2;
	v4 =	vadd.s32 v1, v4;
	_ =	sdelay $0x1  }
0xba: {  	v3 =	vadd.s32 v1, v3;
	_ =	sdelay $0x1  }
0xbb: {  	s13 =	simm.s32 $0xF100  }
0xbc: {  	[tilespmem:s13], [sflag:$0x1] =	stream.indirect_vreg.gather [hbm4b:s3+s2], $0x80, v4, vm0, $0xb8;
	[tilespmem:$0x10100] =	vst v63  }
0xbd: {  	s13 =	simm.s32 $0xF900  }
0xbe: {  	[tilespmem:s13], [sflag:$0x1] =	stream.indirect_vreg.gather [hbm4b:s3+s2], $0x80, v3, vm0, $0xb8;
	[tilespmem:$0x10100] =	vst v63  }
0xbf: {  	_ =	swait.ge [sflag:s12], $0x10000  }
0xc0: {  	[sflag:s12] =	ssyncset.done $0x0  }
0xc1: {  	s0 =	simm.s32 $0x100;
	s13 =	rddreg [dreg:$0x4];
	[sflag:s12] =	ssyncadd.s32 $0xFFFF0000  }
0xc2: {  	[hbm4b:s13+s2] =	stream.linear.scatter [tilespmem:s0], [sflag:$0x2], $0x10000, $0x38;
	[tilespmem:$0x10100] =	vst v63  }
0xc3: {  	_ =	swait.ge [sflag:s5], $0x10000  }
0xc4: {  	[sflag:s5] =	ssyncset.done $0x0  }
0xc5: {  	s13 =	rddreg [dreg:$0x5];
	[sflag:s5] =	ssyncadd.s32 $0xFFFF0000  }
0xc6: {  	[tilespmem:s2], [sflag:$0x2] =	stream.linear.gather [hbm4b:s13+s2], $0x100, $0x38;
	[tilespmem:$0x10100] =	vst v63  }
0xc7: {  	_ =	swait.ge [sflag:s5], $0x100  }
0xc8: {  	[sflag:s5] =	ssyncset.done $0x0  }
0xc9: {  	[sflag:s5] =	ssyncadd.s32 $0xFFFFFF00  }
0xca: {  	v3 =	vld [tilespmem:$0x0];
	_ =	sdelay $0x4  }
0xcb: {  	v48 =	vshll.u32 v3, $0x1  }
0xcc: {  	v3 =	vand.u32 $0x7, v3;
	v4 =	vand.u32 $0xFFFFFFF0, v48  }
0xcd: {  	v3 =	vor.u32 v3, v4  }
0xce: {  	v4 =	vperm.xlane v3, v0;
	_ =	sdelay $0x1  }
0xcf: {  	v3 =	vperm.xlane v3, v2;
	v4 =	vadd.s32 v1, v4;
	_ =	sdelay $0x1  }
0xd0: {  	v3 =	vadd.s32 v1, v3;
	_ =	sdelay $0x2  }
0xd1: {  	[tilespmem:s0], [sflag:$0x1] =	stream.indirect_vreg.gather [hbm4b:s3+s2], $0x80, v4, vm0, $0xb8;
	[tilespmem:$0x10100] =	vst v63  }
0xd2: {  	_ = 	snop  }
0xd3: {  	[tilespmem:s14], [sflag:$0x1] =	stream.indirect_vreg.gather [hbm4b:s3+s2], $0x80, v3, vm0, $0xb8;
	[tilespmem:$0x10100] =	vst v63  }
0xd4: {  	v3 =	vld [tilespmem:$0x10];
	_ =	sdelay $0x4  }
0xd5: {  	v49 =	vshll.u32 v3, $0x1  }
0xd6: {  	v3 =	vand.u32 $0x7, v3;
	v4 =	vand.u32 $0xFFFFFFF0, v49  }
0xd7: {  	v3 =	vor.u32 v3, v4  }
0xd8: {  	v4 =	vperm.xlane v3, v0;
	_ =	sdelay $0x1  }
0xd9: {  	v3 =	vperm.xlane v3, v2;
	v4 =	vadd.s32 v1, v4;
	_ =	sdelay $0x1  }
0xda: {  	v3 =	vadd.s32 v1, v3;
	_ =	sdelay $0x2  }
0xdb: {  	[tilespmem:s15], [sflag:$0x1] =	stream.indirect_vreg.gather [hbm4b:s3+s2], $0x80, v4, vm0, $0xb8;
	[tilespmem:$0x10100] =	vst v63  }
0xdc: {  	_ = 	snop  }
0xdd: {  	[tilespmem:s16], [sflag:$0x1] =	stream.indirect_vreg.gather [hbm4b:s3+s2], $0x80, v3, vm0, $0xb8;
	[tilespmem:$0x10100] =	vst v63  }
0xde: {  	v3 =	vld [tilespmem:$0x20];
	_ =	sdelay $0x4  }
0xdf: {  	v50 =	vshll.u32 v3, $0x1  }
0xe0: {  	v3 =	vand.u32 $0x7, v3;
	v4 =	vand.u32 $0xFFFFFFF0, v50  }
0xe1: {  	v3 =	vor.u32 v3, v4  }
0xe2: {  	v4 =	vperm.xlane v3, v0;
	_ =	sdelay $0x1  }
0xe3: {  	v3 =	vperm.xlane v3, v2;
	v4 =	vadd.s32 v1, v4;
	_ =	sdelay $0x1  }
0xe4: {  	v3 =	vadd.s32 v1, v3;
	_ =	sdelay $0x2  }
0xe5: {  	[tilespmem:s17], [sflag:$0x1] =	stream.indirect_vreg.gather [hbm4b:s3+s2], $0x80, v4, vm0, $0xb8;
	[tilespmem:$0x10100] =	vst v63  }
0xe6: {  	_ = 	snop  }
0xe7: {  	[tilespmem:s18], [sflag:$0x1] =	stream.indirect_vreg.gather [hbm4b:s3+s2], $0x80, v3, vm0, $0xb8;
	[tilespmem:$0x10100] =	vst v63  }
0xe8: {  	v3 =	vld [tilespmem:$0x30];
	_ =	sdelay $0x4  }
0xe9: {  	v51 =	vshll.u32 v3, $0x1  }
0xea: {  	v3 =	vand.u32 $0x7, v3;
	v4 =	vand.u32 $0xFFFFFFF0, v51  }
0xeb: {  	v3 =	vor.u32 v3, v4  }
0xec: {  	v4 =	vperm.xlane v3, v0;
	_ =	sdelay $0x1  }
0xed: {  	v3 =	vperm.xlane v3, v2;
	v4 =	vadd.s32 v1, v4;
	_ =	sdelay $0x1  }
0xee: {  	v3 =	vadd.s32 v1, v3;
	_ =	sdelay $0x2  }
0xef: {  	[tilespmem:s19], [sflag:$0x1] =	stream.indirect_vreg.gather [hbm4b:s3+s2], $0x80, v4, vm0, $0xb8;
	[tilespmem:$0x10100] =	vst v63  }
0xf0: {  	_ = 	snop  }
0xf1: {  	[tilespmem:s20], [sflag:$0x1] =	stream.indirect_vreg.gather [hbm4b:s3+s2], $0x80, v3, vm0, $0xb8;
	[tilespmem:$0x10100] =	vst v63  }
0xf2: {  	v3 =	vld [tilespmem:$0x40];
	_ =	sdelay $0x4  }
0xf3: {  	v52 =	vshll.u32 v3, $0x1  }
0xf4: {  	v3 =	vand.u32 $0x7, v3;
	v4 =	vand.u32 $0xFFFFFFF0, v52  }
0xf5: {  	v3 =	vor.u32 v3, v4  }
0xf6: {  	v4 =	vperm.xlane v3, v0;
	_ =	sdelay $0x1  }
0xf7: {  	v3 =	vperm.xlane v3, v2;
	v4 =	vadd.s32 v1, v4;
	_ =	sdelay $0x1  }
0xf8: {  	v3 =	vadd.s32 v1, v3;
	_ =	sdelay $0x2  }
0xf9: {  	[tilespmem:s21], [sflag:$0x1] =	stream.indirect_vreg.gather [hbm4b:s3+s2], $0x80, v4, vm0, $0xb8;
	[tilespmem:$0x10100] =	vst v63  }
0xfa: {  	_ = 	snop  }
0xfb: {  	[tilespmem:s22], [sflag:$0x1] =	stream.indirect_vreg.gather [hbm4b:s3+s2], $0x80, v3, vm0, $0xb8;
	[tilespmem:$0x10100] =	vst v63  }
0xfc: {  	v3 =	vld [tilespmem:$0x50];
	_ =	sdelay $0x4  }
0xfd: {  	v53 =	vshll.u32 v3, $0x1  }
0xfe: {  	v3 =	vand.u32 $0x7, v3;
	v4 =	vand.u32 $0xFFFFFFF0, v53  }
0xff: {  	v3 =	vor.u32 v3, v4  }
0x100: {  	v4 =	vperm.xlane v3, v0;
	_ =	sdelay $0x1  }
0x101: {  	v3 =	vperm.xlane v3, v2;
	v4 =	vadd.s32 v1, v4;
	_ =	sdelay $0x1  }
0x102: {  	v3 =	vadd.s32 v1, v3;
	_ =	sdelay $0x2  }
0x103: {  	[tilespmem:s23], [sflag:$0x1] =	stream.indirect_vreg.gather [hbm4b:s3+s2], $0x80, v4, vm0, $0xb8;
	[tilespmem:$0x10100] =	vst v63  }
0x104: {  	_ = 	snop  }
0x105: {  	[tilespmem:s24], [sflag:$0x1] =	stream.indirect_vreg.gather [hbm4b:s3+s2], $0x80, v3, vm0, $0xb8;
	[tilespmem:$0x10100] =	vst v63  }
0x106: {  	v3 =	vld [tilespmem:$0x60];
	_ =	sdelay $0x4  }
0x107: {  	v54 =	vshll.u32 v3, $0x1  }
0x108: {  	v3 =	vand.u32 $0x7, v3;
	v4 =	vand.u32 $0xFFFFFFF0, v54  }
0x109: {  	v3 =	vor.u32 v3, v4  }
0x10a: {  	v4 =	vperm.xlane v3, v0;
	_ =	sdelay $0x1  }
0x10b: {  	v3 =	vperm.xlane v3, v2;
	v4 =	vadd.s32 v1, v4;
	_ =	sdelay $0x1  }
0x10c: {  	v3 =	vadd.s32 v1, v3;
	_ =	sdelay $0x2  }
0x10d: {  	[tilespmem:s25], [sflag:$0x1] =	stream.indirect_vreg.gather [hbm4b:s3+s2], $0x80, v4, vm0, $0xb8;
	[tilespmem:$0x10100] =	vst v63  }
0x10e: {  	_ = 	snop  }
0x10f: {  	[tilespmem:s26], [sflag:$0x1] =	stream.indirect_vreg.gather [hbm4b:s3+s2], $0x80, v3, vm0, $0xb8;
	[tilespmem:$0x10100] =	vst v63  }
0x110: {  	v3 =	vld [tilespmem:$0x70];
	_ =	sdelay $0x4  }
0x111: {  	v55 =	vshll.u32 v3, $0x1  }
0x112: {  	v3 =	vand.u32 $0x7, v3;
	v4 =	vand.u32 $0xFFFFFFF0, v55  }
0x113: {  	v3 =	vor.u32 v3, v4  }
0x114: {  	v4 =	vperm.xlane v3, v0;
	_ =	sdelay $0x1  }
0x115: {  	v3 =	vperm.xlane v3, v2;
	v4 =	vadd.s32 v1, v4;
	_ =	sdelay $0x1  }
0x116: {  	v3 =	vadd.s32 v1, v3;
	_ =	sdelay $0x2  }
0x117: {  	[tilespmem:s28], [sflag:$0x1] =	stream.indirect_vreg.gather [hbm4b:s3+s2], $0x80, v4, vm0, $0xb8;
	[tilespmem:$0x10100] =	vst v63  }
0x118: {  	_ = 	snop  }
0x119: {  	[tilespmem:s29], [sflag:$0x1] =	stream.indirect_vreg.gather [hbm4b:s3+s2], $0x80, v3, vm0, $0xb8;
	[tilespmem:$0x10100] =	vst v63  }
0x11a: {  	v3 =	vld [tilespmem:$0x80];
	_ =	sdelay $0x4  }
0x11b: {  	v56 =	vshll.u32 v3, $0x1  }
0x11c: {  	v3 =	vand.u32 $0x7, v3;
	v4 =	vand.u32 $0xFFFFFFF0, v56  }
0x11d: {  	v3 =	vor.u32 v3, v4  }
0x11e: {  	v4 =	vperm.xlane v3, v0;
	_ =	sdelay $0x1  }
0x11f: {  	v3 =	vperm.xlane v3, v2;
	v4 =	vadd.s32 v1, v4;
	_ =	sdelay $0x1  }
0x120: {  	v3 =	vadd.s32 v1, v3;
	_ =	sdelay $0x2  }
0x121: {  	[tilespmem:s30], [sflag:$0x1] =	stream.indirect_vreg.gather [hbm4b:s3+s2], $0x80, v4, vm0, $0xb8;
	[tilespmem:$0x10100] =	vst v63  }
0x122: {  	_ = 	snop  }
0x123: {  	[tilespmem:s31], [sflag:$0x1] =	stream.indirect_vreg.gather [hbm4b:s3+s2], $0x80, v3, vm0, $0xb8;
	[tilespmem:$0x10100] =	vst v63  }
0x124: {  	v3 =	vld [tilespmem:$0x90];
	_ =	sdelay $0x4  }
0x125: {  	v57 =	vshll.u32 v3, $0x1  }
0x126: {  	v3 =	vand.u32 $0x7, v3;
	v4 =	vand.u32 $0xFFFFFFF0, v57  }
0x127: {  	v3 =	vor.u32 v3, v4  }
0x128: {  	v4 =	vperm.xlane v3, v0;
	_ =	sdelay $0x1  }
0x129: {  	v3 =	vperm.xlane v3, v2;
	v4 =	vadd.s32 v1, v4;
	_ =	sdelay $0x1  }
0x12a: {  	v3 =	vadd.s32 v1, v3;
	_ =	sdelay $0x1  }
0x12b: {  	s13 =	simm.s32 $0x9100  }
0x12c: {  	[tilespmem:s13], [sflag:$0x1] =	stream.indirect_vreg.gather [hbm4b:s3+s2], $0x80, v4, vm0, $0xb8;
	[tilespmem:$0x10100] =	vst v63  }
0x12d: {  	_ = 	snop  }
0x12e: {  	[tilespmem:s1], [sflag:$0x1] =	stream.indirect_vreg.gather [hbm4b:s3+s2], $0x80, v3, vm0, $0xb8;
	[tilespmem:$0x10100] =	vst v63  }
0x12f: {  	v3 =	vld [tilespmem:$0xA0];
	_ =	sdelay $0x4  }
0x130: {  	v58 =	vshll.u32 v3, $0x1  }
0x131: {  	v3 =	vand.u32 $0x7, v3;
	v4 =	vand.u32 $0xFFFFFFF0, v58  }
0x132: {  	v3 =	vor.u32 v3, v4  }
0x133: {  	v4 =	vperm.xlane v3, v0;
	_ =	sdelay $0x1  }
0x134: {  	v3 =	vperm.xlane v3, v2;
	v4 =	vadd.s32 v1, v4;
	_ =	sdelay $0x1  }
0x135: {  	v3 =	vadd.s32 v1, v3;
	_ =	sdelay $0x2  }
0x136: {  	[tilespmem:s7], [sflag:$0x1] =	stream.indirect_vreg.gather [hbm4b:s3+s2], $0x80, v4, vm0, $0xb8;
	[tilespmem:$0x10100] =	vst v63  }
0x137: {  	_ = 	snop  }
0x138: {  	[tilespmem:s8], [sflag:$0x1] =	stream.indirect_vreg.gather [hbm4b:s3+s2], $0x80, v3, vm0, $0xb8;
	[tilespmem:$0x10100] =	vst v63  }
0x139: {  	v3 =	vld [tilespmem:$0xB0];
	_ =	sdelay $0x4  }
0x13a: {  	v59 =	vshll.u32 v3, $0x1  }
0x13b: {  	v3 =	vand.u32 $0x7, v3;
	v4 =	vand.u32 $0xFFFFFFF0, v59  }
0x13c: {  	v3 =	vor.u32 v3, v4  }
0x13d: {  	v4 =	vperm.xlane v3, v0;
	_ =	sdelay $0x1  }
0x13e: {  	v3 =	vperm.xlane v3, v2;
	v4 =	vadd.s32 v1, v4;
	_ =	sdelay $0x1  }
0x13f: {  	v3 =	vadd.s32 v1, v3;
	_ =	sdelay $0x2  }
0x140: {  	[tilespmem:s9], [sflag:$0x1] =	stream.indirect_vreg.gather [hbm4b:s3+s2], $0x80, v4, vm0, $0xb8;
	[tilespmem:$0x10100] =	vst v63  }
0x141: {  	_ = 	snop  }
0x142: {  	[tilespmem:s10], [sflag:$0x1] =	stream.indirect_vreg.gather [hbm4b:s3+s2], $0x80, v3, vm0, $0xb8;
	[tilespmem:$0x10100] =	vst v63  }
0x143: {  	v3 =	vld [tilespmem:$0xC0];
	_ =	sdelay $0x4  }
0x144: {  	v60 =	vshll.u32 v3, $0x1  }
0x145: {  	v3 =	vand.u32 $0x7, v3;
	v4 =	vand.u32 $0xFFFFFFF0, v60  }
0x146: {  	v3 =	vor.u32 v3, v4  }
0x147: {  	v4 =	vperm.xlane v3, v0;
	_ =	sdelay $0x1  }
0x148: {  	v3 =	vperm.xlane v3, v2;
	v4 =	vadd.s32 v1, v4;
	_ =	sdelay $0x1  }
0x149: {  	v3 =	vadd.s32 v1, v3;
	_ =	sdelay $0x2  }
0x14a: {  	[tilespmem:s11], [sflag:$0x1] =	stream.indirect_vreg.gather [hbm4b:s3+s2], $0x80, v4, vm0, $0xb8;
	[tilespmem:$0x10100] =	vst v63  }
0x14b: {  	_ = 	snop  }
0x14c: {  	[tilespmem:s6], [sflag:$0x1] =	stream.indirect_vreg.gather [hbm4b:s3+s2], $0x80, v3, vm0, $0xb8;
	[tilespmem:$0x10100] =	vst v63  }
0x14d: {  	v3 =	vld [tilespmem:$0xD0];
	_ =	sdelay $0x4  }
0x14e: {  	v61 =	vshll.u32 v3, $0x1  }
0x14f: {  	v3 =	vand.u32 $0x7, v3;
	v4 =	vand.u32 $0xFFFFFFF0, v61  }
0x150: {  	v3 =	vor.u32 v3, v4  }
0x151: {  	v4 =	vperm.xlane v3, v0;
	_ =	sdelay $0x1  }
0x152: {  	v3 =	vperm.xlane v3, v2;
	v4 =	vadd.s32 v1, v4;
	_ =	sdelay $0x1  }
0x153: {  	v3 =	vadd.s32 v1, v3;
	_ =	sdelay $0x1  }
0x154: {  	s13 =	simm.s32 $0xD100  }
0x155: {  	[tilespmem:s13], [sflag:$0x1] =	stream.indirect_vreg.gather [hbm4b:s3+s2], $0x80, v4, vm0, $0xb8;
	[tilespmem:$0x10100] =	vst v63  }
0x156: {  	s13 =	simm.s32 $0xD900  }
0x157: {  	[tilespmem:s13], [sflag:$0x1] =	stream.indirect_vreg.gather [hbm4b:s3+s2], $0x80, v3, vm0, $0xb8;
	[tilespmem:$0x10100] =	vst v63  }
0x158: {  	v3 =	vld [tilespmem:$0xE0];
	_ =	sdelay $0x4  }
0x159: {  	v62 =	vshll.u32 v3, $0x1  }
0x15a: {  	v3 =	vand.u32 $0x7, v3;
	v4 =	vand.u32 $0xFFFFFFF0, v62  }
0x15b: {  	v3 =	vor.u32 v3, v4  }
0x15c: {  	v4 =	vperm.xlane v3, v0;
	_ =	sdelay $0x1  }
0x15d: {  	v3 =	vperm.xlane v3, v2;
	v4 =	vadd.s32 v1, v4;
	_ =	sdelay $0x1  }
0x15e: {  	v3 =	vadd.s32 v1, v3;
	_ =	sdelay $0x1  }
0x15f: {  	s13 =	simm.s32 $0xE100  }
0x160: {  	[tilespmem:s13], [sflag:$0x1] =	stream.indirect_vreg.gather [hbm4b:s3+s2], $0x80, v4, vm0, $0xb8;
	[tilespmem:$0x10100] =	vst v63  }
0x161: {  	s13 =	simm.s32 $0xE900  }
0x162: {  	[tilespmem:s13], [sflag:$0x1] =	stream.indirect_vreg.gather [hbm4b:s3+s2], $0x80, v3, vm0, $0xb8;
	[tilespmem:$0x10100] =	vst v63  }
0x163: {  	v3 =	vld [tilespmem:$0xF0];
	_ =	sdelay $0x4  }
0x164: {  	v63 =	vshll.u32 v3, $0x1  }
0x165: {  	v3 =	vand.u32 $0x7, v3;
	v4 =	vand.u32 $0xFFFFFFF0, v63  }
0x166: {  	v3 =	vor.u32 v3, v4  }
0x167: {  	v4 =	vperm.xlane v3, v0;
	_ =	sdelay $0x1  }
0x168: {  	v3 =	vperm.xlane v3, v2;
	v4 =	vadd.s32 v1, v4;
	_ =	sdelay $0x1  }
0x169: {  	v3 =	vadd.s32 v1, v3;
	_ =	sdelay $0x1  }
0x16a: {  	s13 =	simm.s32 $0xF100  }
0x16b: {  	[tilespmem:s13], [sflag:$0x1] =	stream.indirect_vreg.gather [hbm4b:s3+s2], $0x80, v4, vm0, $0xb8;
	[tilespmem:$0x10100] =	vst v63  }
0x16c: {  	s13 =	simm.s32 $0xF900  }
0x16d: {  	[tilespmem:s13], [sflag:$0x1] =	stream.indirect_vreg.gather [hbm4b:s3+s2], $0x80, v3, vm0, $0xb8;
	[tilespmem:$0x10100] =	vst v63  }
0x16e: {  	_ =	swait.ge [sflag:s12], $0x10000  }
0x16f: {  	p0 =	sne.s32 s4, $0x1;
	s0 =	simm.s32 $0x100;
	[sflag:s12] =	ssyncset.done $0x0  }
.Ltmp0:
0x170: {  	s13 =	rddreg [dreg:$0x6];
	[sflag:s12] =	ssyncadd.s32 $0xFFFF0000;
	(pc) =	sbr.rel @p0 .LBB2_1-.Ltmp0, $4  }
0x171: {  	[hbm4b:s13+s2] =	stream.linear.scatter [tilespmem:s0], [sflag:$0x2], $0x10000, $0x38;
	[tilespmem:$0x10100] =	vst v63  }
0x172: {  	_ =	swait.ge [sflag:s5], $0x10000  }
0x173: {  	[sflag:s5] =	ssyncset.done $0x0  }
0x174: {  	s4 =	sadd.s32 $0xFFFFFFFF, s4;
	[sflag:s5] =	ssyncadd.s32 $0xFFFF0000  }
0x175: {  	_ =	sfence.sel $0x180000  }
0x176: {  	[bflag:$0x0] =	sbarrier.arrive $0xFFFF  }
0x177: {  	_ =	strace $0x9000004D  }
0x178: {  	s0 =	stileid.u32;
	[bflag:$0x2] =	sbarrier.arrive $0xFFFF  }
0x179: {  	p0 =	sne.s32 s0, $0x0;
	s0 =	rddreg [dreg:$0x2]  }
0x17a: {  	s0 =	sadd.s32 @!p0 $0x100000, s0  }
0x17b: {  	[sflag:s0] =	ssyncadd.tile.s32 @!p0 $0x1;
	_ =	shalt  }
.Lfunc_end2:
_tile_overlayer_lowered:
.L_overlay_start_2:
0x17c: {  	(tag) =	ssettag $0x2  }
0x17d: {  	s0 =	rddreg [dreg:$0x0];
	s2 =	stileid.u32  }
0x17e: {  	s1 =	rddreg [dreg:$0x1];
	p0 =	sne.s32 s2, $0x0  }
0x17f: {  	s3 =	rddreg [dreg:$0x2];
	[bflag:$0x3] =	sbarrier.arrive $0xFFFF;
	s2 =	simm.s32 @!p0 $0x1C02  }
0x180: {  	[timem:s3], [sflag:s2] =	dma.local @!p0 [hbm:s0], s1  }
0x181: {  	s0 =	simm.s32 @!p0 $0x2  }
0x182: {  	_ =	swait.ge @!p0 [sflag:s0], s1  }
0x183: {  	s1 =	ssub.s32 @!p0 $0x0, s1;
	[sflag:s0] =	ssyncset.done @!p0 $0x0  }
0x184: {  	[sflag:s0] =	ssyncadd.s32 @!p0 s1  }
0x185: {  	[bflag:$0x3] =	sbarrier.arrive $0xFFFF  }
0x186: {  	_ =	shalt  }

// kernel: kernel.9.cloned.1.call-start
scs
__scs_entry_jumppad:
0x0: {  	(pc) =	sbr.rel $0x88, $3  }
0x1: {  	(tag) =	ssettag $0x0;
	lr =	simm.s32 $0x1  }
0x2: {  	[smem:$0x3F95] =	sst lr;
	_ =	strace $0xD0000000  }
0x3: {  	_ = 	snop  }
0x4: {  	_ = 	snop  }
0x5: {  	_ = 	snop  }
0x6: {  	_ = 	snop  }
0x7: {  	_ = 	snop  }
__scs_overlays_trampoline_lowered:
0x8: {  	[smem:$0x3FA4] =	sst s0  }
0x9: {  	[smem:$0x3FA5] =	sst s1  }
0xa: {  	[smem:$0x3FA6] =	sst s2  }
0xb: {  	[smem:$0x3FA7] =	sst s3  }
0xc: {  	[smem:$0x3FA8] =	sst s4  }
0xd: {  	[smem:$0x3FA9] =	sst s5  }
0xe: {  	[smem:$0x3FAA] =	sst s6  }
0xf: {  	[smem:$0x3FAB] =	sst s7  }
0x10: {  	[smem:$0x3FAC] =	sst s8  }
0x11: {  	[smem:$0x3FAD] =	sst s9;
	s0 =	simm.s32 @!p0 $0x0  }
0x12: {  	s1 =	sld [smem:$0x3F93];
	s0 =	simm.s32 @p0 $0x1  }
0x13: {  	[smem:$0x3FAE] =	sst s0;
	s0 =	simm.s32 @!p1 $0x0  }
0x14: {  	s2 =	sld [smem:$0x3F92];
	s0 =	simm.s32 @p1 $0x1  }
0x15: {  	[smem:$0x3FAF] =	sst s0;
	s0 =	simm.s32 @!p2 $0x0  }
0x16: {  	s3 =	sld [smem:$0x3FDB];
	s0 =	simm.s32 @p2 $0x1  }
0x17: {  	s4 =	simm.s32 $0x1BF5;
	[smem:$0x3FB1] =	sst s0  }
0x18: {  	s0 =	sld [smem:$0x3F94];
	_ =	swait.ge [sflag:s4], $0x0  }
0x19: {  	s7 =	sld [smem:$0x3F95]  }
0x1a: {  	s8 =	sadd.s32 $0xFFFFE003, lr  }
0x1b: {  	s9 =	sadd.s32 $0xFFFFFEF7, lr;
	s5 =	simm.s32 $0xFFFFFFFF;
	p2 =	slt.u32 s8, $0xFFFFF086  }
0x1c: {  	p1 =	slt.u32 s9, $0xF7A;
	s5 =	simm.s32 @!p2 $0x0  }
0x1d: {  	s5 =	simm.s32 @p1 $0x1;
	p0 =	seq.s32 s7, s2  }
0x1e: {  	s7 =	smul.u32 @!p0 $0xF7A, s2;
	p2 =	seq.s32 @!p0 s5, $0x0  }
0x1f: {  	s9 =	smul.u32 $0xF7A, s1;
	s8 =	simm.s32 @!p0 $0x1BF5;
	p2 =	por !p2, p0  }
0x20: {  	[sflag:s8] =	ssyncset.s32 @!p0 $0xFFFFF086;
	s6 =	sadd.s32 @!p0 s3, s7;
	s7 =	simm.s32 @!p0 $0x108  }
0x21: {  	s3 =	sadd.s32 s3, s9;
	s6 =	sadd.s32 @!p0 $0x88, s6;
	s7 =	simm.s32 @p2 $0x1082  }
0x22: {  	[simem:s7], [sflag:s8] =	dma.local @!p0 [hbm:s6], $0xF7A  }
0x23: {  	s9 =	sor.u32 $0xD0000000, s2;
	s6 =	simm.s32 $0x108;
	_ =	swait.ge @!p0 [sflag:s8], $0x0  }
0x24: {  	s3 =	sadd.s32 $0x88, s3;
	s6 =	simm.s32 @!p1 $0x1082;
	[sflag:s4] =	ssyncset.s32 $0xFFFFF086  }
0x25: {  	[simem:s6], [sflag:s4] =	dma.local [hbm:s3], $0xF7A  }
0x26: {  	[smem:$0x3F95] =	sst s1;
	(tag) =	ssettag s2;
	_ =	strace s9  }
0x27: {  	s1 =	sld [smem:$0x3FA5]  }
0x28: {  	s2 =	sld [smem:$0x3FA6]  }
0x29: {  	s4 =	sld [smem:$0x3FA8]  }
0x2a: {  	p0 =	seq.s32 s5, $0x0;
	s5 =	sld [smem:$0x3FA9]  }
0x2b: {  	s6 =	sld [smem:$0x3FAA]  }
0x2c: {  	s7 =	sld [smem:$0x3FAB]  }
0x2d: {  	s3 =	simm.s32 $0x108;
	s8 =	sld [smem:$0x3FAC]  }
0x2e: {  	s3 =	simm.s32 @!p0 $0x1082;
	s9 =	sld [smem:$0x3FAD]  }
0x2f: {  	lr =	sadd.s32 s0, s3;
	s0 =	sld [smem:$0x3FA4]  }
0x30: {  	s3 =	sld [smem:$0x3FA7]  }
0x31: {  	[smem:$0x3FB0] =	sst s10  }
0x32: {  	s10 =	sld [smem:$0x3FAE];
	_ =	sdelay $0x3  }
0x33: {  	p0 =	seq.s32 s10, $0x1;
	s10 =	sld [smem:$0x3FB0];
	_ =	sdelay $0x3  }
0x34: {  	[smem:$0x3FB0] =	sst s10  }
0x35: {  	s10 =	sld [smem:$0x3FAF];
	_ =	sdelay $0x3  }
0x36: {  	p1 =	seq.s32 s10, $0x1;
	s10 =	sld [smem:$0x3FB0];
	_ =	sdelay $0x3  }
0x37: {  	[smem:$0x3FB0] =	sst s10  }
0x38: {  	s10 =	sld [smem:$0x3FB1]  }
0x39: {  	_ = 	snop;
	(pc) =	sbr.ind lr, $3  }
0x3a: {  	_ = 	snop  }
0x3b: {  	_ = 	snop  }
0x3c: {  	p2 =	seq.s32 s10, $0x1;
	s10 =	sld [smem:$0x3FB0]  }
0x3d: {  	_ =	shalt  }
0x3e: {  	_ =	shalt  }
0x3f: {  	_ =	shalt  }
0x40: {  	_ =	shalt  }
0x41: {  	_ =	shalt  }
0x42: {  	_ =	shalt  }
0x43: {  	_ =	shalt  }
0x44: {  	_ =	shalt  }
0x45: {  	_ =	shalt  }
0x46: {  	_ =	shalt  }
0x47: {  	_ =	shalt  }
0x48: {  	_ =	shalt  }
0x49: {  	_ =	shalt  }
0x4a: {  	_ =	shalt  }
0x4b: {  	_ =	shalt  }
0x4c: {  	_ =	shalt  }
0x4d: {  	_ =	shalt  }
0x4e: {  	_ =	shalt  }
0x4f: {  	_ =	shalt  }
0x50: {  	_ =	shalt  }
0x51: {  	_ =	shalt  }
0x52: {  	_ =	shalt  }
0x53: {  	_ =	shalt  }
0x54: {  	_ =	shalt  }
0x55: {  	_ =	shalt  }
0x56: {  	_ =	shalt  }
0x57: {  	_ =	shalt  }
0x58: {  	_ =	shalt  }
0x59: {  	_ =	shalt  }
0x5a: {  	_ =	shalt  }
0x5b: {  	_ =	shalt  }
0x5c: {  	_ =	shalt  }
0x5d: {  	_ =	shalt  }
0x5e: {  	_ =	shalt  }
0x5f: {  	_ =	shalt  }
0x60: {  	_ =	shalt  }
0x61: {  	_ =	shalt  }
0x62: {  	_ =	shalt  }
0x63: {  	_ =	shalt  }
0x64: {  	_ =	shalt  }
0x65: {  	_ =	shalt  }
0x66: {  	_ =	shalt  }
0x67: {  	_ =	shalt  }
0x68: {  	_ =	shalt  }
0x69: {  	_ =	shalt  }
0x6a: {  	_ =	shalt  }
0x6b: {  	_ =	shalt  }
0x6c: {  	_ =	shalt  }
0x6d: {  	_ =	shalt  }
0x6e: {  	_ =	shalt  }
0x6f: {  	_ =	shalt  }
0x70: {  	_ =	shalt  }
0x71: {  	_ =	shalt  }
0x72: {  	_ =	shalt  }
0x73: {  	_ =	shalt  }
0x74: {  	_ =	shalt  }
0x75: {  	_ =	shalt  }
0x76: {  	_ =	shalt  }
0x77: {  	_ =	shalt  }
0x78: {  	_ =	shalt  }
0x79: {  	_ =	shalt  }
0x7a: {  	_ =	shalt  }
0x7b: {  	_ =	shalt  }
0x7c: {  	_ =	shalt  }
0x7d: {  	_ =	shalt  }
0x7e: {  	_ =	shalt  }
0x7f: {  	_ =	shalt  }
0x80: {  	_ =	shalt  }
0x81: {  	_ =	shalt  }
0x82: {  	_ =	shalt  }
0x83: {  	_ =	shalt  }
0x84: {  	_ =	shalt  }
0x85: {  	_ =	shalt  }
0x86: {  	_ =	shalt  }
0x87: {  	_ =	shalt  }
.Lfunc_end0:
.L_simem_size_0:
called_computation_lowered:
.L_overlay_start_0:
0x88: {  	s2 =	sld [smem:$0x3FD9]  }
0x89: {  	s3 =	sld [smem:$0x3FFE];
	_ =	sdelay $0x1  }
0x8a: {  	s1 =	srdreg.scid  }
0x8b: {  	s0 =	sand.u32 $0x1, s1  }
0x8c: {  	s14 =	sshll.u32 s0, $0xA;
	s2 =	sadd.s32 s3, s2  }
0x8d: {  	s2 =	sadd.s32 s2, s14  }
0x8e: {  	[smem:$0x3FBC] =	sst s2  }
0x8f: {  	_ = 	snop  }
0x90: {  	s2 =	sld [smem:$0x3FD0];
	_ =	sdelay $0x2  }
0x91: {  	s15 =	simm.s32 $0xA;
	s4 =	simm.s32 $0x10  }
0x92: {  	[smem:s4], [sflag:s15] =	dma.local [hbm:s2], $0x1  }
0x93: {  	_ =	swait.eq [sflag:s15], $0x1  }
0x94: {  	[sflag:s15] =	ssyncset.done $0x0  }
0x95: {  	s16 =	sld [smem:$0x11];
	[sflag:s15] =	ssyncadd.s32 $0xFFFFFFFF  }
0x96: {  	s17 =	sld [smem:$0x12];
	(tm) =	ssettm $0x1  }
0x97: {  	s18 =	sld [smem:$0x3FFB];
	_ =	sdelay $0x3  }
0x98: {  	_ =	strace s18  }
0x99: {  	s4 =	sld [smem:$0x3FFC];
	_ =	sdelay $0x3  }
0x9a: {  	_ =	strace s4  }
0x9b: {  	s4 =	sld [smem:$0x3FFD];
	_ =	sdelay $0x3  }
0x9c: {  	_ =	strace s4  }
0x9d: {  	_ =	strace $0x8FFFFFFF  }
0x9e: {  	s19 =	sld [smem:$0x3FDB];
	_ =	sdelay $0x1  }
0x9f: {  	s5 =	simm.s32 $_scs_section_size  }
0xa0: {  	s6 =	simm.s32 $_size__tile_overlayer_lowered;
	s7 =	simm.s32 $_tile_overlayer_lowered  }
0xa1: {  	s22 =	simm.s32 $0x1BFF;
	s21 =	sshll.u32 s7, $0x1;
	s4 =	sadd.s32 s5, s19  }
0xa2: {  	s8 =	simm.s32 $0x0;
	s20 =	sshll.u32 s6, $0x1;
	s6 =	sadd.s32 s21, s4  }
0xa3: {  	[timem:s8], [sflag:s22] =	dma.local [hbm:s6], s20  }
0xa4: {  	_ =	swait.ge [sflag:s22], s20  }
0xa5: {  	s5 =	ssub.s32 $0x0, s20;
	[sflag:s22] =	ssyncset.done $0x0  }
0xa6: {  	[sflag:s22] =	ssyncadd.s32 s5;
	_ =	sdelay $0x1  }
0xa7: {  	s23 =	simm.s32 $0x1B8B  }
0xa8: {  	_ =	swait.ge [sflag:s23], $0x1  }
0xa9: {  	[sflag:s23] =	ssyncset.done $0x0  }
0xaa: {  	s25 =	simm.s32 $0x1B8E;
	s24 =	sld [smem:$0x3FFE];
	[sflag:s23] =	ssyncadd.s32 $0xFFFFFFFF  }
0xab: {  	s26 =	simm.s32 $execute0_lowered;
	[smem:$0x3FD2] =	sst s25  }
0xac: {  	s6 =	sshll.u32 s26, $0x1;
	_ =	strace $0x80000046;
	[dreg:$0x1] =	wrdreg $0xFFFFFFFF  }
0xad: {  	s28 =	simm.s32 $_size_execute0_lowered;
	s4 =	sadd.s32 s4, s6;
	[dreg:$0x0] =	wrdreg $0x0  }
0xae: {  	s6 =	sshll.u32 s28, $0x1;
	[dreg:$0x2] =	wrdreg s4  }
0xaf: {  	[dreg:$0x3] =	wrdreg s6  }
0xb0: {  	[dreg:$0x4] =	wrdreg $0xC0  }
0xb1: {  	_ =	task [dreg:s8], $0x5FFFF  }
0xb2: {  	[dreg:$0x1] =	wrdreg $0xFFFFFFFF  }
0xb3: {  	[dreg:$0x0] =	wrdreg $0x60  }
0xb4: {  	[dreg:$0x2] =	wrdreg s16  }
0xb5: {  	[dreg:$0x3] =	wrdreg s17  }
0xb6: {  	[dreg:$0x4] =	wrdreg s24  }
0xb7: {  	[dreg:$0x5] =	wrdreg $0x9  }
0xb8: {  	_ =	task.clear_ibuf [dreg:s8], $0x6FFFF;
	_ =	strace $0x90000046  }
0xb9: {  	s29 =	simm.s32 $0x9;
	_ =	strace $0x80000048  }
0xba: {  	_ =	swait.ge [sflag:s29], $0x1  }
0xbb: {  	[sflag:s29] =	ssyncadd.s32 $0xFFFFFFFF  }
0xbc: {  	_ =	strace $0x90000048  }
0xbd: {  	_ =	sfence  }
0xbe: {  	s30 =	sld [smem:$0x0];
	_ =	sdelay $0x2  }
0xbf: {  	s31 =	sshll.u32 s1, $0xD;
	s1 =	sshrl.u32 s1, $0x2  }
0xc0: {  	s3 =	sand.u32 $0x4000, s31;
	s1 =	sadd.s32 s1, s30  }
0xc1: {  	s0 =	sor.u32 s3, s0;
	s1 =	sshll.u32 s1, $0x11  }
0xc2: {  	s0 =	sor.u32 s1, s0  }
0xc3: {  	s0 =	sadd.s32 $0x8F2B, s0  }
0xc4: {  	[sflag:s0] =	ssyncadd.remote.s32 $0x1  }
0xc5: {  	_ =	sfence.sel $0xFFFF  }
0xc6: {  	[dreg:$0x0] =	wrdreg $0xFFFFFFFF;
	(pc) =	sbr.abs _section_cstart, $3  }
0xc7: {  	[dreg:$0x1] =	wrdreg $0xFFFFFFFF  }
0xc8: {  	_ =	task.clear_ibuf [dreg:s8], $0x2FFFF;
	_ =	strace $0x9FFFFFFF  }
0xc9: {  	(tm) =	ssettm $0x7FFFFFFF  }
tec
execute0_lowered:
.L_overlay_start_1:
0x0: {  	(tag) =	ssettag $0x1  }
0x1: {  	s1 =	rddreg [dreg:$0x0]  }
0x2: {  	s0 =	rddreg [dreg:$0x1]  }
0x3: {  	s2 =	rddreg [dreg:$0x2];
	s4 =	srdreg.scid;
	s3 =	simm.s32 $0x0  }
0x4: {  	s5 =	stileid.u32;
	s12 =	simm.s32 $0x1;
	s14 =	simm.s32 $0x900  }
0x5: {  	s15 =	simm.s32 $0x1100;
	s16 =	simm.s32 $0x1900;
	s17 =	simm.s32 $0x2100  }
0x6: {  	s18 =	simm.s32 $0x2900;
	s19 =	simm.s32 $0x3100;
	s20 =	simm.s32 $0x3900  }
0x7: {  	s21 =	simm.s32 $0x4100;
	s22 =	simm.s32 $0x4900;
	s28 =	simm.s32 $0x7100  }
0x8: {  	s29 =	simm.s32 $0x7900;
	s30 =	simm.s32 $0x8100;
	s31 =	simm.s32 $0x8900  }
0x9: {  	s9 =	simm.s32 $0xB100;
	s10 =	simm.s32 $0xB900;
	s11 =	simm.s32 $0xC100  }
0xa: {  	s4 =	sand.u32 $0x1, s4;
	[smem:$0x7FF] =	sst s3;
	s5 =	sshll.u32 s5, $0xA  }
0xb: {  	s2 =	sadd.s32 $0x91E00, s2;
	s6 =	sshll.u32 s4, $0x9;
	s4 =	ssub.s32 $0x2, s4  }
0xc: {  	_ =	strace $0x80000047;
	s5 =	sor.u32 s6, s5;
	s23 =	sshrl.u32 s4, $0x1  }
0xd: {  	s6 =	simm.s32 $0xC900;
	s7 =	sshrl.u32 s5, $0x3;
	s8 =	sshll.u32 s5, $0x5  }
0xe: {  	s5 =	sor.u32 $0x100, s5;
	s4 =	ssub.s32 s4, s23;
	s23 =	simm.s32 $0x5100  }
0xf: {  	s7 =	sadd.s32 s0, s7;
	s24 =	sadd.s32 s2, s8;
	s25 =	sshrl.u32 s5, $0x3  }
0x10: {  	s5 =	sshll.u32 s5, $0x5;
	s4 =	smax.u32 s4, $0x1;
	[dreg:$0x4] =	wrdreg s7  }
0x11: {  	s8 =	simm.s32 $0xA900;
	[dreg:$0x5] =	wrdreg s24;
	s0 =	sadd.s32 s0, s25  }
0x12: {  	v2 =	vlaneseq.u32;
	s26 =	sadd.s32 s2, s5;
	s5 =	simm.s32 $0x2;
	s24 =	simm.s32 $0x5900  }
0x13: {  	vm0 =	vmmov $0xffff;
	v1 =	vshrl.u32 v2, $0x3;
	s25 =	simm.s32 $0x6100;
	s2 =	simm.s32 $0x9900;
	[dreg:$0x6] =	wrdreg s0  }
0x14: {  	v0 =	vand.u32 $0x7, v2;
	v2 =	vor.u32 $0x8, v2;
	v1 =	vmul.u32 $0x8, v1;
	s7 =	simm.s32 $0xA100;
	[dreg:$0x7] =	wrdreg s26;
	s26 =	simm.s32 $0x6900  }
.LBB2_1:
0x15: {  	s13 =	rddreg [dreg:$0x4]  }
0x16: {  	[tilespmem:s3], [sflag:$0x2] =	stream.linear.gather [hbm4b:s13+s3], $0x100, $0x38;
	[tilespmem:$0x10100] =	vst v63  }
0x17: {  	_ =	swait.ge [sflag:s5], $0x100  }
0x18: {  	[sflag:s5] =	ssyncset.done $0x0  }
0x19: {  	[sflag:s5] =	ssyncadd.s32 $0xFFFFFF00  }
0x1a: {  	v3 =	vld [tilespmem:$0x0];
	_ =	sdelay $0x4  }
0x1b: {  	v4 =	vshll.u32 v3, $0x1  }
0x1c: {  	v3 =	vand.u32 $0x7, v3;
	v4 =	vand.u32 $0xFFFFFFF0, v4  }
0x1d: {  	v3 =	vor.u32 v3, v4  }
0x1e: {  	v4 =	vperm.xlane v3, v0;
	_ =	sdelay $0x1  }
0x1f: {  	v3 =	vperm.xlane v3, v2;
	v4 =	vadd.s32 v1, v4;
	_ =	sdelay $0x1  }
0x20: {  	v3 =	vadd.s32 v1, v3;
	_ =	sdelay $0x1  }
0x21: {  	s0 =	simm.s32 $0x100  }
0x22: {  	[tilespmem:s0], [sflag:$0x1] =	stream.indirect_vreg.gather [hbm4b:s1+s3], $0x80, v4, vm0, $0xb8;
	[tilespmem:$0x10100] =	vst v63  }
0x23: {  	_ = 	snop  }
0x24: {  	[tilespmem:s14], [sflag:$0x1] =	stream.indirect_vreg.gather [hbm4b:s1+s3], $0x80, v3, vm0, $0xb8;
	[tilespmem:$0x10100] =	vst v63  }
0x25: {  	v3 =	vld [tilespmem:$0x10];
	_ =	sdelay $0x4  }
0x26: {  	v33 =	vshll.u32 v3, $0x1  }
0x27: {  	v3 =	vand.u32 $0x7, v3;
	v4 =	vand.u32 $0xFFFFFFF0, v33  }
0x28: {  	v3 =	vor.u32 v3, v4  }
0x29: {  	v4 =	vperm.xlane v3, v0;
	_ =	sdelay $0x1  }
0x2a: {  	v3 =	vperm.xlane v3, v2;
	v4 =	vadd.s32 v1, v4;
	_ =	sdelay $0x1  }
0x2b: {  	v3 =	vadd.s32 v1, v3;
	_ =	sdelay $0x2  }
0x2c: {  	[tilespmem:s15], [sflag:$0x1] =	stream.indirect_vreg.gather [hbm4b:s1+s3], $0x80, v4, vm0, $0xb8;
	[tilespmem:$0x10100] =	vst v63  }
0x2d: {  	_ = 	snop  }
0x2e: {  	[tilespmem:s16], [sflag:$0x1] =	stream.indirect_vreg.gather [hbm4b:s1+s3], $0x80, v3, vm0, $0xb8;
	[tilespmem:$0x10100] =	vst v63  }
0x2f: {  	v3 =	vld [tilespmem:$0x20];
	_ =	sdelay $0x4  }
0x30: {  	v34 =	vshll.u32 v3, $0x1  }
0x31: {  	v3 =	vand.u32 $0x7, v3;
	v4 =	vand.u32 $0xFFFFFFF0, v34  }
0x32: {  	v3 =	vor.u32 v3, v4  }
0x33: {  	v4 =	vperm.xlane v3, v0;
	_ =	sdelay $0x1  }
0x34: {  	v3 =	vperm.xlane v3, v2;
	v4 =	vadd.s32 v1, v4;
	_ =	sdelay $0x1  }
0x35: {  	v3 =	vadd.s32 v1, v3;
	_ =	sdelay $0x2  }
0x36: {  	[tilespmem:s17], [sflag:$0x1] =	stream.indirect_vreg.gather [hbm4b:s1+s3], $0x80, v4, vm0, $0xb8;
	[tilespmem:$0x10100] =	vst v63  }
0x37: {  	_ = 	snop  }
0x38: {  	[tilespmem:s18], [sflag:$0x1] =	stream.indirect_vreg.gather [hbm4b:s1+s3], $0x80, v3, vm0, $0xb8;
	[tilespmem:$0x10100] =	vst v63  }
0x39: {  	v3 =	vld [tilespmem:$0x30];
	_ =	sdelay $0x4  }
0x3a: {  	v35 =	vshll.u32 v3, $0x1  }
0x3b: {  	v3 =	vand.u32 $0x7, v3;
	v4 =	vand.u32 $0xFFFFFFF0, v35  }
0x3c: {  	v3 =	vor.u32 v3, v4  }
0x3d: {  	v4 =	vperm.xlane v3, v0;
	_ =	sdelay $0x1  }
0x3e: {  	v3 =	vperm.xlane v3, v2;
	v4 =	vadd.s32 v1, v4;
	_ =	sdelay $0x1  }
0x3f: {  	v3 =	vadd.s32 v1, v3;
	_ =	sdelay $0x2  }
0x40: {  	[tilespmem:s19], [sflag:$0x1] =	stream.indirect_vreg.gather [hbm4b:s1+s3], $0x80, v4, vm0, $0xb8;
	[tilespmem:$0x10100] =	vst v63  }
0x41: {  	_ = 	snop  }
0x42: {  	[tilespmem:s20], [sflag:$0x1] =	stream.indirect_vreg.gather [hbm4b:s1+s3], $0x80, v3, vm0, $0xb8;
	[tilespmem:$0x10100] =	vst v63  }
0x43: {  	v3 =	vld [tilespmem:$0x40];
	_ =	sdelay $0x4  }
0x44: {  	v36 =	vshll.u32 v3, $0x1  }
0x45: {  	v3 =	vand.u32 $0x7, v3;
	v4 =	vand.u32 $0xFFFFFFF0, v36  }
0x46: {  	v3 =	vor.u32 v3, v4  }
0x47: {  	v4 =	vperm.xlane v3, v0;
	_ =	sdelay $0x1  }
0x48: {  	v3 =	vperm.xlane v3, v2;
	v4 =	vadd.s32 v1, v4;
	_ =	sdelay $0x1  }
0x49: {  	v3 =	vadd.s32 v1, v3;
	_ =	sdelay $0x2  }
0x4a: {  	[tilespmem:s21], [sflag:$0x1] =	stream.indirect_vreg.gather [hbm4b:s1+s3], $0x80, v4, vm0, $0xb8;
	[tilespmem:$0x10100] =	vst v63  }
0x4b: {  	_ = 	snop  }
0x4c: {  	[tilespmem:s22], [sflag:$0x1] =	stream.indirect_vreg.gather [hbm4b:s1+s3], $0x80, v3, vm0, $0xb8;
	[tilespmem:$0x10100] =	vst v63  }
0x4d: {  	v3 =	vld [tilespmem:$0x50];
	_ =	sdelay $0x4  }
0x4e: {  	v37 =	vshll.u32 v3, $0x1  }
0x4f: {  	v3 =	vand.u32 $0x7, v3;
	v4 =	vand.u32 $0xFFFFFFF0, v37  }
0x50: {  	v3 =	vor.u32 v3, v4  }
0x51: {  	v4 =	vperm.xlane v3, v0;
	_ =	sdelay $0x1  }
0x52: {  	v3 =	vperm.xlane v3, v2;
	v4 =	vadd.s32 v1, v4;
	_ =	sdelay $0x1  }
0x53: {  	v3 =	vadd.s32 v1, v3;
	_ =	sdelay $0x2  }
0x54: {  	[tilespmem:s23], [sflag:$0x1] =	stream.indirect_vreg.gather [hbm4b:s1+s3], $0x80, v4, vm0, $0xb8;
	[tilespmem:$0x10100] =	vst v63  }
0x55: {  	_ = 	snop  }
0x56: {  	[tilespmem:s24], [sflag:$0x1] =	stream.indirect_vreg.gather [hbm4b:s1+s3], $0x80, v3, vm0, $0xb8;
	[tilespmem:$0x10100] =	vst v63  }
0x57: {  	v3 =	vld [tilespmem:$0x60];
	_ =	sdelay $0x4  }
0x58: {  	v38 =	vshll.u32 v3, $0x1  }
0x59: {  	v3 =	vand.u32 $0x7, v3;
	v4 =	vand.u32 $0xFFFFFFF0, v38  }
0x5a: {  	v3 =	vor.u32 v3, v4  }
0x5b: {  	v4 =	vperm.xlane v3, v0;
	_ =	sdelay $0x1  }
0x5c: {  	v3 =	vperm.xlane v3, v2;
	v4 =	vadd.s32 v1, v4;
	_ =	sdelay $0x1  }
0x5d: {  	v3 =	vadd.s32 v1, v3;
	_ =	sdelay $0x2  }
0x5e: {  	[tilespmem:s25], [sflag:$0x1] =	stream.indirect_vreg.gather [hbm4b:s1+s3], $0x80, v4, vm0, $0xb8;
	[tilespmem:$0x10100] =	vst v63  }
0x5f: {  	_ = 	snop  }
0x60: {  	[tilespmem:s26], [sflag:$0x1] =	stream.indirect_vreg.gather [hbm4b:s1+s3], $0x80, v3, vm0, $0xb8;
	[tilespmem:$0x10100] =	vst v63  }
0x61: {  	v3 =	vld [tilespmem:$0x70];
	_ =	sdelay $0x4  }
0x62: {  	v39 =	vshll.u32 v3, $0x1  }
0x63: {  	v3 =	vand.u32 $0x7, v3;
	v4 =	vand.u32 $0xFFFFFFF0, v39  }
0x64: {  	v3 =	vor.u32 v3, v4  }
0x65: {  	v4 =	vperm.xlane v3, v0;
	_ =	sdelay $0x1  }
0x66: {  	v3 =	vperm.xlane v3, v2;
	v4 =	vadd.s32 v1, v4;
	_ =	sdelay $0x1  }
0x67: {  	v3 =	vadd.s32 v1, v3;
	_ =	sdelay $0x2  }
0x68: {  	[tilespmem:s28], [sflag:$0x1] =	stream.indirect_vreg.gather [hbm4b:s1+s3], $0x80, v4, vm0, $0xb8;
	[tilespmem:$0x10100] =	vst v63  }
0x69: {  	_ = 	snop  }
0x6a: {  	[tilespmem:s29], [sflag:$0x1] =	stream.indirect_vreg.gather [hbm4b:s1+s3], $0x80, v3, vm0, $0xb8;
	[tilespmem:$0x10100] =	vst v63  }
0x6b: {  	v3 =	vld [tilespmem:$0x80];
	_ =	sdelay $0x4  }
0x6c: {  	v40 =	vshll.u32 v3, $0x1  }
0x6d: {  	v3 =	vand.u32 $0x7, v3;
	v4 =	vand.u32 $0xFFFFFFF0, v40  }
0x6e: {  	v3 =	vor.u32 v3, v4  }
0x6f: {  	v4 =	vperm.xlane v3, v0;
	_ =	sdelay $0x1  }
0x70: {  	v3 =	vperm.xlane v3, v2;
	v4 =	vadd.s32 v1, v4;
	_ =	sdelay $0x1  }
0x71: {  	v3 =	vadd.s32 v1, v3;
	_ =	sdelay $0x2  }
0x72: {  	[tilespmem:s30], [sflag:$0x1] =	stream.indirect_vreg.gather [hbm4b:s1+s3], $0x80, v4, vm0, $0xb8;
	[tilespmem:$0x10100] =	vst v63  }
0x73: {  	_ = 	snop  }
0x74: {  	[tilespmem:s31], [sflag:$0x1] =	stream.indirect_vreg.gather [hbm4b:s1+s3], $0x80, v3, vm0, $0xb8;
	[tilespmem:$0x10100] =	vst v63  }
0x75: {  	v3 =	vld [tilespmem:$0x90];
	_ =	sdelay $0x4  }
0x76: {  	v41 =	vshll.u32 v3, $0x1  }
0x77: {  	v3 =	vand.u32 $0x7, v3;
	v4 =	vand.u32 $0xFFFFFFF0, v41  }
0x78: {  	v3 =	vor.u32 v3, v4  }
0x79: {  	v4 =	vperm.xlane v3, v0;
	_ =	sdelay $0x1  }
0x7a: {  	v3 =	vperm.xlane v3, v2;
	v4 =	vadd.s32 v1, v4;
	_ =	sdelay $0x1  }
0x7b: {  	v3 =	vadd.s32 v1, v3;
	_ =	sdelay $0x1  }
0x7c: {  	s13 =	simm.s32 $0x9100  }
0x7d: {  	[tilespmem:s13], [sflag:$0x1] =	stream.indirect_vreg.gather [hbm4b:s1+s3], $0x80, v4, vm0, $0xb8;
	[tilespmem:$0x10100] =	vst v63  }
0x7e: {  	_ = 	snop  }
0x7f: {  	[tilespmem:s2], [sflag:$0x1] =	stream.indirect_vreg.gather [hbm4b:s1+s3], $0x80, v3, vm0, $0xb8;
	[tilespmem:$0x10100] =	vst v63  }
0x80: {  	v3 =	vld [tilespmem:$0xA0];
	_ =	sdelay $0x4  }
0x81: {  	v42 =	vshll.u32 v3, $0x1  }
0x82: {  	v3 =	vand.u32 $0x7, v3;
	v4 =	vand.u32 $0xFFFFFFF0, v42  }
0x83: {  	v3 =	vor.u32 v3, v4  }
0x84: {  	v4 =	vperm.xlane v3, v0;
	_ =	sdelay $0x1  }
0x85: {  	v3 =	vperm.xlane v3, v2;
	v4 =	vadd.s32 v1, v4;
	_ =	sdelay $0x1  }
0x86: {  	v3 =	vadd.s32 v1, v3;
	_ =	sdelay $0x2  }
0x87: {  	[tilespmem:s7], [sflag:$0x1] =	stream.indirect_vreg.gather [hbm4b:s1+s3], $0x80, v4, vm0, $0xb8;
	[tilespmem:$0x10100] =	vst v63  }
0x88: {  	_ = 	snop  }
0x89: {  	[tilespmem:s8], [sflag:$0x1] =	stream.indirect_vreg.gather [hbm4b:s1+s3], $0x80, v3, vm0, $0xb8;
	[tilespmem:$0x10100] =	vst v63  }
0x8a: {  	v3 =	vld [tilespmem:$0xB0];
	_ =	sdelay $0x4  }
0x8b: {  	v43 =	vshll.u32 v3, $0x1  }
0x8c: {  	v3 =	vand.u32 $0x7, v3;
	v4 =	vand.u32 $0xFFFFFFF0, v43  }
0x8d: {  	v3 =	vor.u32 v3, v4  }
0x8e: {  	v4 =	vperm.xlane v3, v0;
	_ =	sdelay $0x1  }
0x8f: {  	v3 =	vperm.xlane v3, v2;
	v4 =	vadd.s32 v1, v4;
	_ =	sdelay $0x1  }
0x90: {  	v3 =	vadd.s32 v1, v3;
	_ =	sdelay $0x2  }
0x91: {  	[tilespmem:s9], [sflag:$0x1] =	stream.indirect_vreg.gather [hbm4b:s1+s3], $0x80, v4, vm0, $0xb8;
	[tilespmem:$0x10100] =	vst v63  }
0x92: {  	_ = 	snop  }
0x93: {  	[tilespmem:s10], [sflag:$0x1] =	stream.indirect_vreg.gather [hbm4b:s1+s3], $0x80, v3, vm0, $0xb8;
	[tilespmem:$0x10100] =	vst v63  }
0x94: {  	v3 =	vld [tilespmem:$0xC0];
	_ =	sdelay $0x4  }
0x95: {  	v44 =	vshll.u32 v3, $0x1  }
0x96: {  	v3 =	vand.u32 $0x7, v3;
	v4 =	vand.u32 $0xFFFFFFF0, v44  }
0x97: {  	v3 =	vor.u32 v3, v4  }
0x98: {  	v4 =	vperm.xlane v3, v0;
	_ =	sdelay $0x1  }
0x99: {  	v3 =	vperm.xlane v3, v2;
	v4 =	vadd.s32 v1, v4;
	_ =	sdelay $0x1  }
0x9a: {  	v3 =	vadd.s32 v1, v3;
	_ =	sdelay $0x2  }
0x9b: {  	[tilespmem:s11], [sflag:$0x1] =	stream.indirect_vreg.gather [hbm4b:s1+s3], $0x80, v4, vm0, $0xb8;
	[tilespmem:$0x10100] =	vst v63  }
0x9c: {  	_ = 	snop  }
0x9d: {  	[tilespmem:s6], [sflag:$0x1] =	stream.indirect_vreg.gather [hbm4b:s1+s3], $0x80, v3, vm0, $0xb8;
	[tilespmem:$0x10100] =	vst v63  }
0x9e: {  	v3 =	vld [tilespmem:$0xD0];
	_ =	sdelay $0x4  }
0x9f: {  	v45 =	vshll.u32 v3, $0x1  }
0xa0: {  	v3 =	vand.u32 $0x7, v3;
	v4 =	vand.u32 $0xFFFFFFF0, v45  }
0xa1: {  	v3 =	vor.u32 v3, v4  }
0xa2: {  	v4 =	vperm.xlane v3, v0;
	_ =	sdelay $0x1  }
0xa3: {  	v3 =	vperm.xlane v3, v2;
	v4 =	vadd.s32 v1, v4;
	_ =	sdelay $0x1  }
0xa4: {  	v3 =	vadd.s32 v1, v3;
	_ =	sdelay $0x1  }
0xa5: {  	s13 =	simm.s32 $0xD100  }
0xa6: {  	[tilespmem:s13], [sflag:$0x1] =	stream.indirect_vreg.gather [hbm4b:s1+s3], $0x80, v4, vm0, $0xb8;
	[tilespmem:$0x10100] =	vst v63  }
0xa7: {  	s13 =	simm.s32 $0xD900  }
0xa8: {  	[tilespmem:s13], [sflag:$0x1] =	stream.indirect_vreg.gather [hbm4b:s1+s3], $0x80, v3, vm0, $0xb8;
	[tilespmem:$0x10100] =	vst v63  }
0xa9: {  	v3 =	vld [tilespmem:$0xE0];
	_ =	sdelay $0x4  }
0xaa: {  	v46 =	vshll.u32 v3, $0x1  }
0xab: {  	v3 =	vand.u32 $0x7, v3;
	v4 =	vand.u32 $0xFFFFFFF0, v46  }
0xac: {  	v3 =	vor.u32 v3, v4  }
0xad: {  	v4 =	vperm.xlane v3, v0;
	_ =	sdelay $0x1  }
0xae: {  	v3 =	vperm.xlane v3, v2;
	v4 =	vadd.s32 v1, v4;
	_ =	sdelay $0x1  }
0xaf: {  	v3 =	vadd.s32 v1, v3;
	_ =	sdelay $0x1  }
0xb0: {  	s13 =	simm.s32 $0xE100  }
0xb1: {  	[tilespmem:s13], [sflag:$0x1] =	stream.indirect_vreg.gather [hbm4b:s1+s3], $0x80, v4, vm0, $0xb8;
	[tilespmem:$0x10100] =	vst v63  }
0xb2: {  	s13 =	simm.s32 $0xE900  }
0xb3: {  	[tilespmem:s13], [sflag:$0x1] =	stream.indirect_vreg.gather [hbm4b:s1+s3], $0x80, v3, vm0, $0xb8;
	[tilespmem:$0x10100] =	vst v63  }
0xb4: {  	v3 =	vld [tilespmem:$0xF0];
	_ =	sdelay $0x4  }
0xb5: {  	v47 =	vshll.u32 v3, $0x1  }
0xb6: {  	v3 =	vand.u32 $0x7, v3;
	v4 =	vand.u32 $0xFFFFFFF0, v47  }
0xb7: {  	v3 =	vor.u32 v3, v4  }
0xb8: {  	v4 =	vperm.xlane v3, v0;
	_ =	sdelay $0x1  }
0xb9: {  	v3 =	vperm.xlane v3, v2;
	v4 =	vadd.s32 v1, v4;
	_ =	sdelay $0x1  }
0xba: {  	v3 =	vadd.s32 v1, v3;
	_ =	sdelay $0x1  }
0xbb: {  	s13 =	simm.s32 $0xF100  }
0xbc: {  	[tilespmem:s13], [sflag:$0x1] =	stream.indirect_vreg.gather [hbm4b:s1+s3], $0x80, v4, vm0, $0xb8;
	[tilespmem:$0x10100] =	vst v63  }
0xbd: {  	s13 =	simm.s32 $0xF900  }
0xbe: {  	[tilespmem:s13], [sflag:$0x1] =	stream.indirect_vreg.gather [hbm4b:s1+s3], $0x80, v3, vm0, $0xb8;
	[tilespmem:$0x10100] =	vst v63  }
0xbf: {  	_ =	swait.ge [sflag:s12], $0x10000  }
0xc0: {  	[sflag:s12] =	ssyncset.done $0x0  }
0xc1: {  	s0 =	simm.s32 $0x100;
	s13 =	rddreg [dreg:$0x5];
	[sflag:s12] =	ssyncadd.s32 $0xFFFF0000  }
0xc2: {  	[hbm4b:s13+s3] =	stream.linear.scatter [tilespmem:s0], [sflag:$0x2], $0x10000, $0x38;
	[tilespmem:$0x10100] =	vst v63  }
0xc3: {  	_ =	swait.ge [sflag:s5], $0x10000  }
0xc4: {  	[sflag:s5] =	ssyncset.done $0x0  }
0xc5: {  	s13 =	rddreg [dreg:$0x6];
	[sflag:s5] =	ssyncadd.s32 $0xFFFF0000  }
0xc6: {  	[tilespmem:s3], [sflag:$0x2] =	stream.linear.gather [hbm4b:s13+s3], $0x100, $0x38;
	[tilespmem:$0x10100] =	vst v63  }
0xc7: {  	_ =	swait.ge [sflag:s5], $0x100  }
0xc8: {  	[sflag:s5] =	ssyncset.done $0x0  }
0xc9: {  	[sflag:s5] =	ssyncadd.s32 $0xFFFFFF00  }
0xca: {  	v3 =	vld [tilespmem:$0x0];
	_ =	sdelay $0x4  }
0xcb: {  	v48 =	vshll.u32 v3, $0x1  }
0xcc: {  	v3 =	vand.u32 $0x7, v3;
	v4 =	vand.u32 $0xFFFFFFF0, v48  }
0xcd: {  	v3 =	vor.u32 v3, v4  }
0xce: {  	v4 =	vperm.xlane v3, v0;
	_ =	sdelay $0x1  }
0xcf: {  	v3 =	vperm.xlane v3, v2;
	v4 =	vadd.s32 v1, v4;
	_ =	sdelay $0x1  }
0xd0: {  	v3 =	vadd.s32 v1, v3;
	_ =	sdelay $0x2  }
0xd1: {  	[tilespmem:s0], [sflag:$0x1] =	stream.indirect_vreg.gather [hbm4b:s1+s3], $0x80, v4, vm0, $0xb8;
	[tilespmem:$0x10100] =	vst v63  }
0xd2: {  	_ = 	snop  }
0xd3: {  	[tilespmem:s14], [sflag:$0x1] =	stream.indirect_vreg.gather [hbm4b:s1+s3], $0x80, v3, vm0, $0xb8;
	[tilespmem:$0x10100] =	vst v63  }
0xd4: {  	v3 =	vld [tilespmem:$0x10];
	_ =	sdelay $0x4  }
0xd5: {  	v49 =	vshll.u32 v3, $0x1  }
0xd6: {  	v3 =	vand.u32 $0x7, v3;
	v4 =	vand.u32 $0xFFFFFFF0, v49  }
0xd7: {  	v3 =	vor.u32 v3, v4  }
0xd8: {  	v4 =	vperm.xlane v3, v0;
	_ =	sdelay $0x1  }
0xd9: {  	v3 =	vperm.xlane v3, v2;
	v4 =	vadd.s32 v1, v4;
	_ =	sdelay $0x1  }
0xda: {  	v3 =	vadd.s32 v1, v3;
	_ =	sdelay $0x2  }
0xdb: {  	[tilespmem:s15], [sflag:$0x1] =	stream.indirect_vreg.gather [hbm4b:s1+s3], $0x80, v4, vm0, $0xb8;
	[tilespmem:$0x10100] =	vst v63  }
0xdc: {  	_ = 	snop  }
0xdd: {  	[tilespmem:s16], [sflag:$0x1] =	stream.indirect_vreg.gather [hbm4b:s1+s3], $0x80, v3, vm0, $0xb8;
	[tilespmem:$0x10100] =	vst v63  }
0xde: {  	v3 =	vld [tilespmem:$0x20];
	_ =	sdelay $0x4  }
0xdf: {  	v50 =	vshll.u32 v3, $0x1  }
0xe0: {  	v3 =	vand.u32 $0x7, v3;
	v4 =	vand.u32 $0xFFFFFFF0, v50  }
0xe1: {  	v3 =	vor.u32 v3, v4  }
0xe2: {  	v4 =	vperm.xlane v3, v0;
	_ =	sdelay $0x1  }
0xe3: {  	v3 =	vperm.xlane v3, v2;
	v4 =	vadd.s32 v1, v4;
	_ =	sdelay $0x1  }
0xe4: {  	v3 =	vadd.s32 v1, v3;
	_ =	sdelay $0x2  }
0xe5: {  	[tilespmem:s17], [sflag:$0x1] =	stream.indirect_vreg.gather [hbm4b:s1+s3], $0x80, v4, vm0, $0xb8;
	[tilespmem:$0x10100] =	vst v63  }
0xe6: {  	_ = 	snop  }
0xe7: {  	[tilespmem:s18], [sflag:$0x1] =	stream.indirect_vreg.gather [hbm4b:s1+s3], $0x80, v3, vm0, $0xb8;
	[tilespmem:$0x10100] =	vst v63  }
0xe8: {  	v3 =	vld [tilespmem:$0x30];
	_ =	sdelay $0x4  }
0xe9: {  	v51 =	vshll.u32 v3, $0x1  }
0xea: {  	v3 =	vand.u32 $0x7, v3;
	v4 =	vand.u32 $0xFFFFFFF0, v51  }
0xeb: {  	v3 =	vor.u32 v3, v4  }
0xec: {  	v4 =	vperm.xlane v3, v0;
	_ =	sdelay $0x1  }
0xed: {  	v3 =	vperm.xlane v3, v2;
	v4 =	vadd.s32 v1, v4;
	_ =	sdelay $0x1  }
0xee: {  	v3 =	vadd.s32 v1, v3;
	_ =	sdelay $0x2  }
0xef: {  	[tilespmem:s19], [sflag:$0x1] =	stream.indirect_vreg.gather [hbm4b:s1+s3], $0x80, v4, vm0, $0xb8;
	[tilespmem:$0x10100] =	vst v63  }
0xf0: {  	_ = 	snop  }
0xf1: {  	[tilespmem:s20], [sflag:$0x1] =	stream.indirect_vreg.gather [hbm4b:s1+s3], $0x80, v3, vm0, $0xb8;
	[tilespmem:$0x10100] =	vst v63  }
0xf2: {  	v3 =	vld [tilespmem:$0x40];
	_ =	sdelay $0x4  }
0xf3: {  	v52 =	vshll.u32 v3, $0x1  }
0xf4: {  	v3 =	vand.u32 $0x7, v3;
	v4 =	vand.u32 $0xFFFFFFF0, v52  }
0xf5: {  	v3 =	vor.u32 v3, v4  }
0xf6: {  	v4 =	vperm.xlane v3, v0;
	_ =	sdelay $0x1  }
0xf7: {  	v3 =	vperm.xlane v3, v2;
	v4 =	vadd.s32 v1, v4;
	_ =	sdelay $0x1  }
0xf8: {  	v3 =	vadd.s32 v1, v3;
	_ =	sdelay $0x2  }
0xf9: {  	[tilespmem:s21], [sflag:$0x1] =	stream.indirect_vreg.gather [hbm4b:s1+s3], $0x80, v4, vm0, $0xb8;
	[tilespmem:$0x10100] =	vst v63  }
0xfa: {  	_ = 	snop  }
0xfb: {  	[tilespmem:s22], [sflag:$0x1] =	stream.indirect_vreg.gather [hbm4b:s1+s3], $0x80, v3, vm0, $0xb8;
	[tilespmem:$0x10100] =	vst v63  }
0xfc: {  	v3 =	vld [tilespmem:$0x50];
	_ =	sdelay $0x4  }
0xfd: {  	v53 =	vshll.u32 v3, $0x1  }
0xfe: {  	v3 =	vand.u32 $0x7, v3;
	v4 =	vand.u32 $0xFFFFFFF0, v53  }
0xff: {  	v3 =	vor.u32 v3, v4  }
0x100: {  	v4 =	vperm.xlane v3, v0;
	_ =	sdelay $0x1  }
0x101: {  	v3 =	vperm.xlane v3, v2;
	v4 =	vadd.s32 v1, v4;
	_ =	sdelay $0x1  }
0x102: {  	v3 =	vadd.s32 v1, v3;
	_ =	sdelay $0x2  }
0x103: {  	[tilespmem:s23], [sflag:$0x1] =	stream.indirect_vreg.gather [hbm4b:s1+s3], $0x80, v4, vm0, $0xb8;
	[tilespmem:$0x10100] =	vst v63  }
0x104: {  	_ = 	snop  }
0x105: {  	[tilespmem:s24], [sflag:$0x1] =	stream.indirect_vreg.gather [hbm4b:s1+s3], $0x80, v3, vm0, $0xb8;
	[tilespmem:$0x10100] =	vst v63  }
0x106: {  	v3 =	vld [tilespmem:$0x60];
	_ =	sdelay $0x4  }
0x107: {  	v54 =	vshll.u32 v3, $0x1  }
0x108: {  	v3 =	vand.u32 $0x7, v3;
	v4 =	vand.u32 $0xFFFFFFF0, v54  }
0x109: {  	v3 =	vor.u32 v3, v4  }
0x10a: {  	v4 =	vperm.xlane v3, v0;
	_ =	sdelay $0x1  }
0x10b: {  	v3 =	vperm.xlane v3, v2;
	v4 =	vadd.s32 v1, v4;
	_ =	sdelay $0x1  }
0x10c: {  	v3 =	vadd.s32 v1, v3;
	_ =	sdelay $0x2  }
0x10d: {  	[tilespmem:s25], [sflag:$0x1] =	stream.indirect_vreg.gather [hbm4b:s1+s3], $0x80, v4, vm0, $0xb8;
	[tilespmem:$0x10100] =	vst v63  }
0x10e: {  	_ = 	snop  }
0x10f: {  	[tilespmem:s26], [sflag:$0x1] =	stream.indirect_vreg.gather [hbm4b:s1+s3], $0x80, v3, vm0, $0xb8;
	[tilespmem:$0x10100] =	vst v63  }
0x110: {  	v3 =	vld [tilespmem:$0x70];
	_ =	sdelay $0x4  }
0x111: {  	v55 =	vshll.u32 v3, $0x1  }
0x112: {  	v3 =	vand.u32 $0x7, v3;
	v4 =	vand.u32 $0xFFFFFFF0, v55  }
0x113: {  	v3 =	vor.u32 v3, v4  }
0x114: {  	v4 =	vperm.xlane v3, v0;
	_ =	sdelay $0x1  }
0x115: {  	v3 =	vperm.xlane v3, v2;
	v4 =	vadd.s32 v1, v4;
	_ =	sdelay $0x1  }
0x116: {  	v3 =	vadd.s32 v1, v3;
	_ =	sdelay $0x2  }
0x117: {  	[tilespmem:s28], [sflag:$0x1] =	stream.indirect_vreg.gather [hbm4b:s1+s3], $0x80, v4, vm0, $0xb8;
	[tilespmem:$0x10100] =	vst v63  }
0x118: {  	_ = 	snop  }
0x119: {  	[tilespmem:s29], [sflag:$0x1] =	stream.indirect_vreg.gather [hbm4b:s1+s3], $0x80, v3, vm0, $0xb8;
	[tilespmem:$0x10100] =	vst v63  }
0x11a: {  	v3 =	vld [tilespmem:$0x80];
	_ =	sdelay $0x4  }
0x11b: {  	v56 =	vshll.u32 v3, $0x1  }
0x11c: {  	v3 =	vand.u32 $0x7, v3;
	v4 =	vand.u32 $0xFFFFFFF0, v56  }
0x11d: {  	v3 =	vor.u32 v3, v4  }
0x11e: {  	v4 =	vperm.xlane v3, v0;
	_ =	sdelay $0x1  }
0x11f: {  	v3 =	vperm.xlane v3, v2;
	v4 =	vadd.s32 v1, v4;
	_ =	sdelay $0x1  }
0x120: {  	v3 =	vadd.s32 v1, v3;
	_ =	sdelay $0x2  }
0x121: {  	[tilespmem:s30], [sflag:$0x1] =	stream.indirect_vreg.gather [hbm4b:s1+s3], $0x80, v4, vm0, $0xb8;
	[tilespmem:$0x10100] =	vst v63  }
0x122: {  	_ = 	snop  }
0x123: {  	[tilespmem:s31], [sflag:$0x1] =	stream.indirect_vreg.gather [hbm4b:s1+s3], $0x80, v3, vm0, $0xb8;
	[tilespmem:$0x10100] =	vst v63  }
0x124: {  	v3 =	vld [tilespmem:$0x90];
	_ =	sdelay $0x4  }
0x125: {  	v57 =	vshll.u32 v3, $0x1  }
0x126: {  	v3 =	vand.u32 $0x7, v3;
	v4 =	vand.u32 $0xFFFFFFF0, v57  }
0x127: {  	v3 =	vor.u32 v3, v4  }
0x128: {  	v4 =	vperm.xlane v3, v0;
	_ =	sdelay $0x1  }
0x129: {  	v3 =	vperm.xlane v3, v2;
	v4 =	vadd.s32 v1, v4;
	_ =	sdelay $0x1  }
0x12a: {  	v3 =	vadd.s32 v1, v3;
	_ =	sdelay $0x1  }
0x12b: {  	s13 =	simm.s32 $0x9100  }
0x12c: {  	[tilespmem:s13], [sflag:$0x1] =	stream.indirect_vreg.gather [hbm4b:s1+s3], $0x80, v4, vm0, $0xb8;
	[tilespmem:$0x10100] =	vst v63  }
0x12d: {  	_ = 	snop  }
0x12e: {  	[tilespmem:s2], [sflag:$0x1] =	stream.indirect_vreg.gather [hbm4b:s1+s3], $0x80, v3, vm0, $0xb8;
	[tilespmem:$0x10100] =	vst v63  }
0x12f: {  	v3 =	vld [tilespmem:$0xA0];
	_ =	sdelay $0x4  }
0x130: {  	v58 =	vshll.u32 v3, $0x1  }
0x131: {  	v3 =	vand.u32 $0x7, v3;
	v4 =	vand.u32 $0xFFFFFFF0, v58  }
0x132: {  	v3 =	vor.u32 v3, v4  }
0x133: {  	v4 =	vperm.xlane v3, v0;
	_ =	sdelay $0x1  }
0x134: {  	v3 =	vperm.xlane v3, v2;
	v4 =	vadd.s32 v1, v4;
	_ =	sdelay $0x1  }
0x135: {  	v3 =	vadd.s32 v1, v3;
	_ =	sdelay $0x2  }
0x136: {  	[tilespmem:s7], [sflag:$0x1] =	stream.indirect_vreg.gather [hbm4b:s1+s3], $0x80, v4, vm0, $0xb8;
	[tilespmem:$0x10100] =	vst v63  }
0x137: {  	_ = 	snop  }
0x138: {  	[tilespmem:s8], [sflag:$0x1] =	stream.indirect_vreg.gather [hbm4b:s1+s3], $0x80, v3, vm0, $0xb8;
	[tilespmem:$0x10100] =	vst v63  }
0x139: {  	v3 =	vld [tilespmem:$0xB0];
	_ =	sdelay $0x4  }
0x13a: {  	v59 =	vshll.u32 v3, $0x1  }
0x13b: {  	v3 =	vand.u32 $0x7, v3;
	v4 =	vand.u32 $0xFFFFFFF0, v59  }
0x13c: {  	v3 =	vor.u32 v3, v4  }
0x13d: {  	v4 =	vperm.xlane v3, v0;
	_ =	sdelay $0x1  }
0x13e: {  	v3 =	vperm.xlane v3, v2;
	v4 =	vadd.s32 v1, v4;
	_ =	sdelay $0x1  }
0x13f: {  	v3 =	vadd.s32 v1, v3;
	_ =	sdelay $0x2  }
0x140: {  	[tilespmem:s9], [sflag:$0x1] =	stream.indirect_vreg.gather [hbm4b:s1+s3], $0x80, v4, vm0, $0xb8;
	[tilespmem:$0x10100] =	vst v63  }
0x141: {  	_ = 	snop  }
0x142: {  	[tilespmem:s10], [sflag:$0x1] =	stream.indirect_vreg.gather [hbm4b:s1+s3], $0x80, v3, vm0, $0xb8;
	[tilespmem:$0x10100] =	vst v63  }
0x143: {  	v3 =	vld [tilespmem:$0xC0];
	_ =	sdelay $0x4  }
0x144: {  	v60 =	vshll.u32 v3, $0x1  }
0x145: {  	v3 =	vand.u32 $0x7, v3;
	v4 =	vand.u32 $0xFFFFFFF0, v60  }
0x146: {  	v3 =	vor.u32 v3, v4  }
0x147: {  	v4 =	vperm.xlane v3, v0;
	_ =	sdelay $0x1  }
0x148: {  	v3 =	vperm.xlane v3, v2;
	v4 =	vadd.s32 v1, v4;
	_ =	sdelay $0x1  }
0x149: {  	v3 =	vadd.s32 v1, v3;
	_ =	sdelay $0x2  }
0x14a: {  	[tilespmem:s11], [sflag:$0x1] =	stream.indirect_vreg.gather [hbm4b:s1+s3], $0x80, v4, vm0, $0xb8;
	[tilespmem:$0x10100] =	vst v63  }
0x14b: {  	_ = 	snop  }
0x14c: {  	[tilespmem:s6], [sflag:$0x1] =	stream.indirect_vreg.gather [hbm4b:s1+s3], $0x80, v3, vm0, $0xb8;
	[tilespmem:$0x10100] =	vst v63  }
0x14d: {  	v3 =	vld [tilespmem:$0xD0];
	_ =	sdelay $0x4  }
0x14e: {  	v61 =	vshll.u32 v3, $0x1  }
0x14f: {  	v3 =	vand.u32 $0x7, v3;
	v4 =	vand.u32 $0xFFFFFFF0, v61  }
0x150: {  	v3 =	vor.u32 v3, v4  }
0x151: {  	v4 =	vperm.xlane v3, v0;
	_ =	sdelay $0x1  }
0x152: {  	v3 =	vperm.xlane v3, v2;
	v4 =	vadd.s32 v1, v4;
	_ =	sdelay $0x1  }
0x153: {  	v3 =	vadd.s32 v1, v3;
	_ =	sdelay $0x1  }
0x154: {  	s13 =	simm.s32 $0xD100  }
0x155: {  	[tilespmem:s13], [sflag:$0x1] =	stream.indirect_vreg.gather [hbm4b:s1+s3], $0x80, v4, vm0, $0xb8;
	[tilespmem:$0x10100] =	vst v63  }
0x156: {  	s13 =	simm.s32 $0xD900  }
0x157: {  	[tilespmem:s13], [sflag:$0x1] =	stream.indirect_vreg.gather [hbm4b:s1+s3], $0x80, v3, vm0, $0xb8;
	[tilespmem:$0x10100] =	vst v63  }
0x158: {  	v3 =	vld [tilespmem:$0xE0];
	_ =	sdelay $0x4  }
0x159: {  	v62 =	vshll.u32 v3, $0x1  }
0x15a: {  	v3 =	vand.u32 $0x7, v3;
	v4 =	vand.u32 $0xFFFFFFF0, v62  }
0x15b: {  	v3 =	vor.u32 v3, v4  }
0x15c: {  	v4 =	vperm.xlane v3, v0;
	_ =	sdelay $0x1  }
0x15d: {  	v3 =	vperm.xlane v3, v2;
	v4 =	vadd.s32 v1, v4;
	_ =	sdelay $0x1  }
0x15e: {  	v3 =	vadd.s32 v1, v3;
	_ =	sdelay $0x1  }
0x15f: {  	s13 =	simm.s32 $0xE100  }
0x160: {  	[tilespmem:s13], [sflag:$0x1] =	stream.indirect_vreg.gather [hbm4b:s1+s3], $0x80, v4, vm0, $0xb8;
	[tilespmem:$0x10100] =	vst v63  }
0x161: {  	s13 =	simm.s32 $0xE900  }
0x162: {  	[tilespmem:s13], [sflag:$0x1] =	stream.indirect_vreg.gather [hbm4b:s1+s3], $0x80, v3, vm0, $0xb8;
	[tilespmem:$0x10100] =	vst v63  }
0x163: {  	v3 =	vld [tilespmem:$0xF0];
	_ =	sdelay $0x4  }
0x164: {  	v63 =	vshll.u32 v3, $0x1  }
0x165: {  	v3 =	vand.u32 $0x7, v3;
	v4 =	vand.u32 $0xFFFFFFF0, v63  }
0x166: {  	v3 =	vor.u32 v3, v4  }
0x167: {  	v4 =	vperm.xlane v3, v0;
	_ =	sdelay $0x1  }
0x168: {  	v3 =	vperm.xlane v3, v2;
	v4 =	vadd.s32 v1, v4;
	_ =	sdelay $0x1  }
0x169: {  	v3 =	vadd.s32 v1, v3;
	_ =	sdelay $0x1  }
0x16a: {  	s13 =	simm.s32 $0xF100  }
0x16b: {  	[tilespmem:s13], [sflag:$0x1] =	stream.indirect_vreg.gather [hbm4b:s1+s3], $0x80, v4, vm0, $0xb8;
	[tilespmem:$0x10100] =	vst v63  }
0x16c: {  	s13 =	simm.s32 $0xF900  }
0x16d: {  	[tilespmem:s13], [sflag:$0x1] =	stream.indirect_vreg.gather [hbm4b:s1+s3], $0x80, v3, vm0, $0xb8;
	[tilespmem:$0x10100] =	vst v63  }
0x16e: {  	_ =	swait.ge [sflag:s12], $0x10000  }
0x16f: {  	p0 =	sne.s32 s4, $0x1;
	s0 =	simm.s32 $0x100;
	[sflag:s12] =	ssyncset.done $0x0  }
.Ltmp0:
0x170: {  	s13 =	rddreg [dreg:$0x7];
	[sflag:s12] =	ssyncadd.s32 $0xFFFF0000;
	(pc) =	sbr.rel @p0 .LBB2_1-.Ltmp0, $4  }
0x171: {  	[hbm4b:s13+s3] =	stream.linear.scatter [tilespmem:s0], [sflag:$0x2], $0x10000, $0x38;
	[tilespmem:$0x10100] =	vst v63  }
0x172: {  	_ =	swait.ge [sflag:s5], $0x10000  }
0x173: {  	[sflag:s5] =	ssyncset.done $0x0  }
0x174: {  	s4 =	sadd.s32 $0xFFFFFFFF, s4;
	[sflag:s5] =	ssyncadd.s32 $0xFFFF0000  }
0x175: {  	_ =	sfence.sel $0x180000  }
0x176: {  	[bflag:$0x0] =	sbarrier.arrive $0xFFFF  }
0x177: {  	_ =	strace $0x90000047  }
0x178: {  	s0 =	stileid.u32;
	[bflag:$0x2] =	sbarrier.arrive $0xFFFF  }
0x179: {  	p0 =	sne.s32 s0, $0x0;
	s0 =	rddreg [dreg:$0x3]  }
0x17a: {  	s0 =	sadd.s32 @!p0 $0x100000, s0  }
0x17b: {  	[sflag:s0] =	ssyncadd.tile.s32 @!p0 $0x1;
	_ =	shalt  }
.Lfunc_end2:
_tile_overlayer_lowered:
.L_overlay_start_2:
0x17c: {  	(tag) =	ssettag $0x2  }
0x17d: {  	s0 =	rddreg [dreg:$0x0];
	s2 =	stileid.u32  }
0x17e: {  	s1 =	rddreg [dreg:$0x1];
	p0 =	sne.s32 s2, $0x0  }
0x17f: {  	s3 =	rddreg [dreg:$0x2];
	[bflag:$0x3] =	sbarrier.arrive $0xFFFF;
	s2 =	simm.s32 @!p0 $0x1C02  }
0x180: {  	[timem:s3], [sflag:s2] =	dma.local @!p0 [hbm:s0], s1  }
0x181: {  	s0 =	simm.s32 @!p0 $0x2  }
0x182: {  	_ =	swait.ge @!p0 [sflag:s0], s1  }
0x183: {  	s1 =	ssub.s32 @!p0 $0x0, s1;
	[sflag:s0] =	ssyncset.done @!p0 $0x0  }
0x184: {  	[sflag:s0] =	ssyncadd.s32 @!p0 s1  }
0x185: {  	[bflag:$0x3] =	sbarrier.arrive $0xFFFF  }
0x186: {  	_ =	shalt  }

</sc_bundles>
